<compile_context>
chip_gen: v7x
topology: tpu7x:2x2x1
jax: 0.10.2.dev20260603
libtpu: 0.0.44.dev20260713+nightly
codegen_flags: <defaults>
</compile_context>

<pallas_src>
import functools

import jax
import jax.numpy as jnp
from jax import lax
from jax.experimental import pallas as pl
from jax.experimental.pallas import tpu as pltpu
from jax.experimental.pallas import tpu_sc as plsc

VOCAB = 1000
D = 128
BATCH = 4096
SEQ = 200
B_TOTAL = BATCH * SEQ
NC, NS = 2, 16
NW = NC * NS
CHUNK = 128
SLOTS = B_TOTAL // (NW * CHUNK)
BASE_PER_W = B_TOTAL // NW
NBUF = 5
GA = 3
HEAD = NBUF
MAIN = ((SLOTS - HEAD) // NBUF) * NBUF
TAIL = SLOTS - HEAD - MAIN


@functools.partial(
    pl.kernel,
    out_type=jax.ShapeDtypeStruct((B_TOTAL, D), jnp.float32),
    mesh=plsc.VectorSubcoreMesh(core_axis_name="c", subcore_axis_name="s"),
    scratch_types=(
        [pltpu.VMEM_SHARED((VOCAB, D), jnp.float32),
         pltpu.VMEM((BASE_PER_W,), jnp.int32)]
        + [pltpu.VMEM((CHUNK, D), jnp.float32)] * NBUF
        + [pltpu.SemaphoreType.DMA] * (2 * NBUF)
    ),
)
def _emb_lookup(idx_hbm, table_hbm, out_hbm, table_sh, idx_v, *bufs):
    rows = bufs[:NBUF]
    gsem = bufs[NBUF:2 * NBUF]
    wsem = bufs[2 * NBUF:]
    sid = lax.axis_index("s")
    wid = sid * NC + lax.axis_index("c")
    base = wid * BASE_PER_W

    @pl.when(sid == 0)
    def _():
        pltpu.sync_copy(table_hbm, table_sh)

    pltpu.sync_copy(idx_hbm.at[pl.ds(wid * BASE_PER_W, BASE_PER_W)], idx_v)
    plsc.subcore_barrier()

    def start_gather(j, b):
        pltpu.make_async_copy(
            table_sh.at[idx_v.at[pl.ds(j * CHUNK, CHUNK)]], rows[b], gsem[b]
        ).start()

    def wait_gather(j, b):
        pltpu.make_async_copy(
            table_sh.at[idx_v.at[pl.ds(j * CHUNK, CHUNK)]], rows[b], gsem[b]
        ).wait()

    def start_write(j, b):
        pltpu.make_async_copy(
            rows[b], out_hbm.at[pl.ds(base + j * CHUNK, CHUNK)], wsem[b]).start()

    def wait_write(b):
        pltpu.make_async_copy(
            rows[b], out_hbm.at[pl.ds(base, CHUNK)], wsem[b]).wait()

    def slot(j, b, first):
        wait_gather(j, b)
        start_write(j, b)
        nb = (b + GA) % NBUF
        if not first:
            wait_write(nb)
        start_gather(lax.rem(j + GA, SLOTS), nb)

    for b in range(GA):
        start_gather(b, b)
    for b in range(HEAD):
        slot(b, b, first=b < NBUF - GA)

    def outer(i, carry):
        for b in range(NBUF):
            slot(i * NBUF + b, b, first=False)
        return carry

    lax.fori_loop(1, 1 + MAIN // NBUF, outer, 0)

    for j in range(HEAD + MAIN, SLOTS):
        slot(j, j % NBUF, first=False)

    for k in range(GA):
        wait_gather(k, (SLOTS - GA + k + GA) % NBUF)
    for j in range(SLOTS - (NBUF - GA), SLOTS):
        wait_write(j % NBUF)


def kernel(texts_indices, table):
    idx = texts_indices.reshape(B_TOTAL).astype(jnp.int32)
    out = _emb_lookup(idx, table)
    return out.reshape(BATCH, SEQ, D)

# --- scband reference (transcript-rebuilt; emitter-appended) ---
"""Pipeline reference for scband-text-encode-53790170415119 (READ-ONLY COPY).

The authoritative reference and input builder live on the scoring server;
editing this copy changes nothing except your own understanding.
"""

import jax, jax.numpy as jnp
import numpy as np

VOCAB = 1000
EMBED_DIM = 128
BATCH = 4096
SEQ_LEN = 200

def setup_inputs(seed: int = 0) -> dict:
    key = jax.random.key(seed)
    k_idx, k_tab = jax.random.split(key)
    texts_indices = jax.random.randint(k_idx, (BATCH, SEQ_LEN), 0, VOCAB, dtype=jnp.int64 if jax.config.jax_enable_x64 else jnp.int32)
    table = jax.random.normal(k_tab, (VOCAB, EMBED_DIM), dtype=jnp.float32)
    # padding_idx=0: torch initializes the padding row to zeros
    table = table.at[0].set(0.0)
    return {"texts_indices": texts_indices, "table": table}

def reference(texts_indices, table):
    # Faithful to TextEncode.forward: indices already padded [batch, seq_len];
    # the embedding lookup is the core op: (batch, seq_len, embedding_dim)
    phoneme_embeds = jnp.take(table, texts_indices, axis=0)
    return phoneme_embeds

if __name__ == "__main__":
    import jax
    _d = setup_inputs()
    print(jax.jit(kernel)(*tuple(_d.values())))

</pallas_src>

<mosaic_0001>
#map = affine_map<(d0, d1) -> (0)>
#map1 = affine_map<(d0, d1) -> (0, 0)>
module attributes {stable_mosaic.version = 14 : i64} {
  func.func @_emb_lookup(%arg0: i32, %arg1: i32, %arg2: memref<819200xi32, #tpu.memory_space<hbm>>, %arg3: memref<1000x128xf32, #tpu.memory_space<hbm>>, %arg4: memref<819200x128xf32, #tpu.memory_space<hbm>>, %arg5: memref<1000x128xf32, #tpu.memory_space<vmem_shared>>, %arg6: memref<25600xi32, #tpu.memory_space<vmem>>, %arg7: memref<128x128xf32, #tpu.memory_space<vmem>>, %arg8: memref<128x128xf32, #tpu.memory_space<vmem>>, %arg9: memref<128x128xf32, #tpu.memory_space<vmem>>, %arg10: memref<128x128xf32, #tpu.memory_space<vmem>>, %arg11: memref<128x128xf32, #tpu.memory_space<vmem>>, %arg12: memref<!tpu.dma_semaphore, #tpu.memory_space<semaphore_mem>>, %arg13: memref<!tpu.dma_semaphore, #tpu.memory_space<semaphore_mem>>, %arg14: memref<!tpu.dma_semaphore, #tpu.memory_space<semaphore_mem>>, %arg15: memref<!tpu.dma_semaphore, #tpu.memory_space<semaphore_mem>>, %arg16: memref<!tpu.dma_semaphore, #tpu.memory_space<semaphore_mem>>, %arg17: memref<!tpu.dma_semaphore, #tpu.memory_space<semaphore_mem>>, %arg18: memref<!tpu.dma_semaphore, #tpu.memory_space<semaphore_mem>>, %arg19: memref<!tpu.dma_semaphore, #tpu.memory_space<semaphore_mem>>, %arg20: memref<!tpu.dma_semaphore, #tpu.memory_space<semaphore_mem>>, %arg21: memref<!tpu.dma_semaphore, #tpu.memory_space<semaphore_mem>>) attributes {dimension_semantics = [#tpu.dimension_semantics<core_parallel>, #tpu.dimension_semantics<subcore_parallel>], iteration_bounds = array<i64: 2, 16>, scalar_prefetch = 0 : i64, scratch_operands = 17 : i64, tpu.core_type = #tpu.core_type<sc_vector_subcore>, window_params = [{transform_indices = #map}, {transform_indices = #map1}, {transform_indices = #map1}]} {
    %mul3A = arith.constant 2 : i32
    %mul3A_0 = arith.muli %arg1, %mul3A : i32
    %add3A = arith.addi %mul3A_0, %arg0 : i32
    %mul3A_1 = arith.constant 25600 : i32
    %mul3A_2 = arith.muli %add3A, %mul3A_1 : i32
    %eq3A = arith.constant 0 : i32
    %eq3A_3 = arith.cmpi eq, %arg1, %eq3A : i32
    %convert_element_type3A = arith.extui %eq3A_3 : i1 to i32
    %cond3A = arith.constant 0 : i32
    %cond3A_4 = arith.cmpi ne, %convert_element_type3A, %cond3A : i32
    scf.if %cond3A_4 {
      "tpu.region"() ({
        %run_scoped3A = tpu.sem_alloc : memref<!tpu.dma_semaphore, #tpu.memory_space<semaphore_mem>>
        tpu.enqueue_dma source(%arg3 : memref<1000x128xf32, #tpu.memory_space<hbm>>) target(%arg5 : memref<1000x128xf32, #tpu.memory_space<vmem_shared>>) target_semaphore(%run_scoped3A : memref<!tpu.dma_semaphore, #tpu.memory_space<semaphore_mem>>)
        tpu.wait_dma2 semaphore(%run_scoped3A : memref<!tpu.dma_semaphore, #tpu.memory_space<semaphore_mem>>) src(%arg3 : memref<1000x128xf32, #tpu.memory_space<hbm>>) dst(%arg5 : memref<1000x128xf32, #tpu.memory_space<vmem_shared>>)
        tpu.yield
      }) : () -> ()
    } else {
    }
    %mul3A_5 = arith.constant 25600 : i32
    %mul3A_6 = arith.muli %add3A, %mul3A_5 : i32
    "tpu.region"() ({
      %run_scoped3A = tpu.sem_alloc : memref<!tpu.dma_semaphore, #tpu.memory_space<semaphore_mem>>
      %dma_start3A_159 = tpu.memref_slice %arg2[%mul3A_6] : memref<819200xi32, #tpu.memory_space<hbm>> -> memref<25600xi32, #tpu.memory_space<hbm>>
      %dma_start3A_160 = tpu.memref_slice %arg2[%mul3A_6] : memref<819200xi32, #tpu.memory_space<hbm>> -> memref<25600xi32, #tpu.memory_space<hbm>>
      tpu.enqueue_dma source(%dma_start3A_160 : memref<25600xi32, #tpu.memory_space<hbm>>) target(%arg6 : memref<25600xi32, #tpu.memory_space<vmem>>) target_semaphore(%run_scoped3A : memref<!tpu.dma_semaphore, #tpu.memory_space<semaphore_mem>>)
      %dma_wait3A_161 = tpu.memref_slice %arg2[%mul3A_6] : memref<819200xi32, #tpu.memory_space<hbm>> -> memref<25600xi32, #tpu.memory_space<hbm>>
      %dma_wait3A_162 = tpu.memref_slice %arg2[%mul3A_6] : memref<819200xi32, #tpu.memory_space<hbm>> -> memref<25600xi32, #tpu.memory_space<hbm>>
      tpu.wait_dma2 semaphore(%run_scoped3A : memref<!tpu.dma_semaphore, #tpu.memory_space<semaphore_mem>>) src(%dma_wait3A_162 : memref<25600xi32, #tpu.memory_space<hbm>>) dst(%arg6 : memref<25600xi32, #tpu.memory_space<vmem>>)
      tpu.yield
    }) : () -> ()
    %barrier3A = arith.constant 0 : index
    tpu.barrier barrier_id(%barrier3A)
    %dma_start3A = arith.constant 0 : i32
    %dma_start3A_7 = tpu.memref_slice %arg6[%dma_start3A] : memref<25600xi32, #tpu.memory_space<vmem>> -> memref<128xi32, #tpu.memory_space<vmem>>
    %dma_start3A_8 = arith.constant 0 : i32
    %dma_start3A_9 = arith.constant 0 : i32
    %dma_start3A_10 = tpu.memref_slice %arg5[%dma_start3A_8, %dma_start3A_9] : memref<1000x128xf32, #tpu.memory_space<vmem_shared>> -> memref<1000x128xf32, #tpu.memory_space<vmem_shared>>
    tpu.enqueue_indirect_dma source(%dma_start3A_10 : memref<1000x128xf32, #tpu.memory_space<vmem_shared>>) target(%arg7 : memref<128x128xf32, #tpu.memory_space<vmem>>) offsets(%dma_start3A_7 : memref<128xi32, #tpu.memory_space<vmem>>) semaphore(%arg12 : memref<!tpu.dma_semaphore, #tpu.memory_space<semaphore_mem>>)
    %dma_start3A_11 = arith.constant 128 : i32
    %dma_start3A_12 = tpu.memref_slice %arg6[%dma_start3A_11] : memref<25600xi32, #tpu.memory_space<vmem>> -> memref<128xi32, #tpu.memory_space<vmem>>
    %dma_start3A_13 = arith.constant 0 : i32
    %dma_start3A_14 = arith.constant 0 : i32
    %dma_start3A_15 = tpu.memref_slice %arg5[%dma_start3A_13, %dma_start3A_14] : memref<1000x128xf32, #tpu.memory_space<vmem_shared>> -> memref<1000x128xf32, #tpu.memory_space<vmem_shared>>
    tpu.enqueue_indirect_dma source(%dma_start3A_15 : memref<1000x128xf32, #tpu.memory_space<vmem_shared>>) target(%arg8 : memref<128x128xf32, #tpu.memory_space<vmem>>) offsets(%dma_start3A_12 : memref<128xi32, #tpu.memory_space<vmem>>) semaphore(%arg13 : memref<!tpu.dma_semaphore, #tpu.memory_space<semaphore_mem>>)
    %dma_start3A_16 = arith.constant 256 : i32
    %dma_start3A_17 = tpu.memref_slice %arg6[%dma_start3A_16] : memref<25600xi32, #tpu.memory_space<vmem>> -> memref<128xi32, #tpu.memory_space<vmem>>
    %dma_start3A_18 = arith.constant 0 : i32
    %dma_start3A_19 = arith.constant 0 : i32
    %dma_start3A_20 = tpu.memref_slice %arg5[%dma_start3A_18, %dma_start3A_19] : memref<1000x128xf32, #tpu.memory_space<vmem_shared>> -> memref<1000x128xf32, #tpu.memory_space<vmem_shared>>
    tpu.enqueue_indirect_dma source(%dma_start3A_20 : memref<1000x128xf32, #tpu.memory_space<vmem_shared>>) target(%arg9 : memref<128x128xf32, #tpu.memory_space<vmem>>) offsets(%dma_start3A_17 : memref<128xi32, #tpu.memory_space<vmem>>) semaphore(%arg14 : memref<!tpu.dma_semaphore, #tpu.memory_space<semaphore_mem>>)
    %dma_wait3A = arith.constant 0 : i32
    %dma_wait3A_21 = tpu.memref_slice %arg6[%dma_wait3A] : memref<25600xi32, #tpu.memory_space<vmem>> -> memref<128xi32, #tpu.memory_space<vmem>>
    %dma_wait3A_22 = arith.constant 0 : i32
    %dma_wait3A_23 = arith.constant 0 : i32
    %dma_wait3A_24 = tpu.memref_slice %arg5[%dma_wait3A_22, %dma_wait3A_23] : memref<1000x128xf32, #tpu.memory_space<vmem_shared>> -> memref<1000x128xf32, #tpu.memory_space<vmem_shared>>
    tpu.wait_indirect_dma semaphore(%arg12 : memref<!tpu.dma_semaphore, #tpu.memory_space<semaphore_mem>>) src(%dma_wait3A_24 : memref<1000x128xf32, #tpu.memory_space<vmem_shared>>) dst(%arg7 : memref<128x128xf32, #tpu.memory_space<vmem>>)
    %add3A_25 = arith.constant 0 : i32
    %add3A_26 = arith.addi %mul3A_2, %add3A_25 : i32
    %dma_start3A_27 = arith.constant 0 : i32
    %dma_start3A_28 = tpu.memref_slice %arg4[%add3A_26, %dma_start3A_27] : memref<819200x128xf32, #tpu.memory_space<hbm>> -> memref<128x128xf32, #tpu.memory_space<hbm>>
    %dma_start3A_29 = arith.constant 0 : i32
    %dma_start3A_30 = tpu.memref_slice %arg4[%add3A_26, %dma_start3A_29] : memref<819200x128xf32, #tpu.memory_space<hbm>> -> memref<128x128xf32, #tpu.memory_space<hbm>>
    tpu.enqueue_dma source(%arg7 : memref<128x128xf32, #tpu.memory_space<vmem>>) target(%dma_start3A_30 : memref<128x128xf32, #tpu.memory_space<hbm>>) target_semaphore(%arg17 : memref<!tpu.dma_semaphore, #tpu.memory_space<semaphore_mem>>)
    %rem3A = arith.constant 3 : i32
    %rem3A_31 = arith.constant 200 : i32
    %rem3A_32 = arith.remsi %rem3A, %rem3A_31 : i32
    %mul3A_33 = arith.constant 128 : i32
    %mul3A_34 = arith.muli %rem3A_32, %mul3A_33 : i32
    %dma_start3A_35 = tpu.memref_slice %arg6[%mul3A_34] : memref<25600xi32, #tpu.memory_space<vmem>> -> memref<128xi32, #tpu.memory_space<vmem>>
    %dma_start3A_36 = arith.constant 0 : i32
    %dma_start3A_37 = arith.constant 0 : i32
    %dma_start3A_38 = tpu.memref_slice %arg5[%dma_start3A_36, %dma_start3A_37] : memref<1000x128xf32, #tpu.memory_space<vmem_shared>> -> memref<1000x128xf32, #tpu.memory_space<vmem_shared>>
    tpu.enqueue_indirect_dma source(%dma_start3A_38 : memref<1000x128xf32, #tpu.memory_space<vmem_shared>>) target(%arg10 : memref<128x128xf32, #tpu.memory_space<vmem>>) offsets(%dma_start3A_35 : memref<128xi32, #tpu.memory_space<vmem>>) semaphore(%arg15 : memref<!tpu.dma_semaphore, #tpu.memory_space<semaphore_mem>>)
    %dma_wait3A_39 = arith.constant 128 : i32
    %dma_wait3A_40 = tpu.memref_slice %arg6[%dma_wait3A_39] : memref<25600xi32, #tpu.memory_space<vmem>> -> memref<128xi32, #tpu.memory_space<vmem>>
    %dma_wait3A_41 = arith.constant 0 : i32
    %dma_wait3A_42 = arith.constant 0 : i32
    %dma_wait3A_43 = tpu.memref_slice %arg5[%dma_wait3A_41, %dma_wait3A_42] : memref<1000x128xf32, #tpu.memory_space<vmem_shared>> -> memref<1000x128xf32, #tpu.memory_space<vmem_shared>>
    tpu.wait_indirect_dma semaphore(%arg13 : memref<!tpu.dma_semaphore, #tpu.memory_space<semaphore_mem>>) src(%dma_wait3A_43 : memref<1000x128xf32, #tpu.memory_space<vmem_shared>>) dst(%arg8 : memref<128x128xf32, #tpu.memory_space<vmem>>)
    %add3A_44 = arith.constant 128 : i32
    %add3A_45 = arith.addi %mul3A_2, %add3A_44 : i32
    %dma_start3A_46 = arith.constant 0 : i32
    %dma_start3A_47 = tpu.memref_slice %arg4[%add3A_45, %dma_start3A_46] : memref<819200x128xf32, #tpu.memory_space<hbm>> -> memref<128x128xf32, #tpu.memory_space<hbm>>
    %dma_start3A_48 = arith.constant 0 : i32
    %dma_start3A_49 = tpu.memref_slice %arg4[%add3A_45, %dma_start3A_48] : memref<819200x128xf32, #tpu.memory_space<hbm>> -> memref<128x128xf32, #tpu.memory_space<hbm>>
    tpu.enqueue_dma source(%arg8 : memref<128x128xf32, #tpu.memory_space<vmem>>) target(%dma_start3A_49 : memref<128x128xf32, #tpu.memory_space<hbm>>) target_semaphore(%arg18 : memref<!tpu.dma_semaphore, #tpu.memory_space<semaphore_mem>>)
    %rem3A_50 = arith.constant 4 : i32
    %rem3A_51 = arith.constant 200 : i32
    %rem3A_52 = arith.remsi %rem3A_50, %rem3A_51 : i32
    %mul3A_53 = arith.constant 128 : i32
    %mul3A_54 = arith.muli %rem3A_52, %mul3A_53 : i32
    %dma_start3A_55 = tpu.memref_slice %arg6[%mul3A_54] : memref<25600xi32, #tpu.memory_space<vmem>> -> memref<128xi32, #tpu.memory_space<vmem>>
    %dma_start3A_56 = arith.constant 0 : i32
    %dma_start3A_57 = arith.constant 0 : i32
    %dma_start3A_58 = tpu.memref_slice %arg5[%dma_start3A_56, %dma_start3A_57] : memref<1000x128xf32, #tpu.memory_space<vmem_shared>> -> memref<1000x128xf32, #tpu.memory_space<vmem_shared>>
    tpu.enqueue_indirect_dma source(%dma_start3A_58 : memref<1000x128xf32, #tpu.memory_space<vmem_shared>>) target(%arg11 : memref<128x128xf32, #tpu.memory_space<vmem>>) offsets(%dma_start3A_55 : memref<128xi32, #tpu.memory_space<vmem>>) semaphore(%arg16 : memref<!tpu.dma_semaphore, #tpu.memory_space<semaphore_mem>>)
    %dma_wait3A_59 = arith.constant 256 : i32
    %dma_wait3A_60 = tpu.memref_slice %arg6[%dma_wait3A_59] : memref<25600xi32, #tpu.memory_space<vmem>> -> memref<128xi32, #tpu.memory_space<vmem>>
    %dma_wait3A_61 = arith.constant 0 : i32
    %dma_wait3A_62 = arith.constant 0 : i32
    %dma_wait3A_63 = tpu.memref_slice %arg5[%dma_wait3A_61, %dma_wait3A_62] : memref<1000x128xf32, #tpu.memory_space<vmem_shared>> -> memref<1000x128xf32, #tpu.memory_space<vmem_shared>>
    tpu.wait_indirect_dma semaphore(%arg14 : memref<!tpu.dma_semaphore, #tpu.memory_space<semaphore_mem>>) src(%dma_wait3A_63 : memref<1000x128xf32, #tpu.memory_space<vmem_shared>>) dst(%arg9 : memref<128x128xf32, #tpu.memory_space<vmem>>)
    %add3A_64 = arith.constant 256 : i32
    %add3A_65 = arith.addi %mul3A_2, %add3A_64 : i32
    %dma_start3A_66 = arith.constant 0 : i32
    %dma_start3A_67 = tpu.memref_slice %arg4[%add3A_65, %dma_start3A_66] : memref<819200x128xf32, #tpu.memory_space<hbm>> -> memref<128x128xf32, #tpu.memory_space<hbm>>
    %dma_start3A_68 = arith.constant 0 : i32
    %dma_start3A_69 = tpu.memref_slice %arg4[%add3A_65, %dma_start3A_68] : memref<819200x128xf32, #tpu.memory_space<hbm>> -> memref<128x128xf32, #tpu.memory_space<hbm>>
    tpu.enqueue_dma source(%arg9 : memref<128x128xf32, #tpu.memory_space<vmem>>) target(%dma_start3A_69 : memref<128x128xf32, #tpu.memory_space<hbm>>) target_semaphore(%arg19 : memref<!tpu.dma_semaphore, #tpu.memory_space<semaphore_mem>>)
    %dma_wait3A_70 = arith.constant 0 : i32
    %dma_wait3A_71 = tpu.memref_slice %arg4[%mul3A_2, %dma_wait3A_70] : memref<819200x128xf32, #tpu.memory_space<hbm>> -> memref<128x128xf32, #tpu.memory_space<hbm>>
    %dma_wait3A_72 = arith.constant 0 : i32
    %dma_wait3A_73 = tpu.memref_slice %arg4[%mul3A_2, %dma_wait3A_72] : memref<819200x128xf32, #tpu.memory_space<hbm>> -> memref<128x128xf32, #tpu.memory_space<hbm>>
    tpu.wait_dma2 semaphore(%arg17 : memref<!tpu.dma_semaphore, #tpu.memory_space<semaphore_mem>>) src(%arg7 : memref<128x128xf32, #tpu.memory_space<vmem>>) dst(%dma_wait3A_73 : memref<128x128xf32, #tpu.memory_space<hbm>>)
    %rem3A_74 = arith.constant 5 : i32
    %rem3A_75 = arith.constant 200 : i32
    %rem3A_76 = arith.remsi %rem3A_74, %rem3A_75 : i32
    %mul3A_77 = arith.constant 128 : i32
    %mul3A_78 = arith.muli %rem3A_76, %mul3A_77 : i32
    %dma_start3A_79 = tpu.memref_slice %arg6[%mul3A_78] : memref<25600xi32, #tpu.memory_space<vmem>> -> memref<128xi32, #tpu.memory_space<vmem>>
    %dma_start3A_80 = arith.constant 0 : i32
    %dma_start3A_81 = arith.constant 0 : i32
    %dma_start3A_82 = tpu.memref_slice %arg5[%dma_start3A_80, %dma_start3A_81] : memref<1000x128xf32, #tpu.memory_space<vmem_shared>> -> memref<1000x128xf32, #tpu.memory_space<vmem_shared>>
    tpu.enqueue_indirect_dma source(%dma_start3A_82 : memref<1000x128xf32, #tpu.memory_space<vmem_shared>>) target(%arg7 : memref<128x128xf32, #tpu.memory_space<vmem>>) offsets(%dma_start3A_79 : memref<128xi32, #tpu.memory_space<vmem>>) semaphore(%arg12 : memref<!tpu.dma_semaphore, #tpu.memory_space<semaphore_mem>>)
    %dma_wait3A_83 = arith.constant 384 : i32
    %dma_wait3A_84 = tpu.memref_slice %arg6[%dma_wait3A_83] : memref<25600xi32, #tpu.memory_space<vmem>> -> memref<128xi32, #tpu.memory_space<vmem>>
    %dma_wait3A_85 = arith.constant 0 : i32
    %dma_wait3A_86 = arith.constant 0 : i32
    %dma_wait3A_87 = tpu.memref_slice %arg5[%dma_wait3A_85, %dma_wait3A_86] : memref<1000x128xf32, #tpu.memory_space<vmem_shared>> -> memref<1000x128xf32, #tpu.memory_space<vmem_shared>>
    tpu.wait_indirect_dma semaphore(%arg15 : memref<!tpu.dma_semaphore, #tpu.memory_space<semaphore_mem>>) src(%dma_wait3A_87 : memref<1000x128xf32, #tpu.memory_space<vmem_shared>>) dst(%arg10 : memref<128x128xf32, #tpu.memory_space<vmem>>)
    %add3A_88 = arith.constant 384 : i32
    %add3A_89 = arith.addi %mul3A_2, %add3A_88 : i32
    %dma_start3A_90 = arith.constant 0 : i32
    %dma_start3A_91 = tpu.memref_slice %arg4[%add3A_89, %dma_start3A_90] : memref<819200x128xf32, #tpu.memory_space<hbm>> -> memref<128x128xf32, #tpu.memory_space<hbm>>
    %dma_start3A_92 = arith.constant 0 : i32
    %dma_start3A_93 = tpu.memref_slice %arg4[%add3A_89, %dma_start3A_92] : memref<819200x128xf32, #tpu.memory_space<hbm>> -> memref<128x128xf32, #tpu.memory_space<hbm>>
    tpu.enqueue_dma source(%arg10 : memref<128x128xf32, #tpu.memory_space<vmem>>) target(%dma_start3A_93 : memref<128x128xf32, #tpu.memory_space<hbm>>) target_semaphore(%arg20 : memref<!tpu.dma_semaphore, #tpu.memory_space<semaphore_mem>>)
    %dma_wait3A_94 = arith.constant 0 : i32
    %dma_wait3A_95 = tpu.memref_slice %arg4[%mul3A_2, %dma_wait3A_94] : memref<819200x128xf32, #tpu.memory_space<hbm>> -> memref<128x128xf32, #tpu.memory_space<hbm>>
    %dma_wait3A_96 = arith.constant 0 : i32
    %dma_wait3A_97 = tpu.memref_slice %arg4[%mul3A_2, %dma_wait3A_96] : memref<819200x128xf32, #tpu.memory_space<hbm>> -> memref<128x128xf32, #tpu.memory_space<hbm>>
    tpu.wait_dma2 semaphore(%arg18 : memref<!tpu.dma_semaphore, #tpu.memory_space<semaphore_mem>>) src(%arg8 : memref<128x128xf32, #tpu.memory_space<vmem>>) dst(%dma_wait3A_97 : memref<128x128xf32, #tpu.memory_space<hbm>>)
    %rem3A_98 = arith.constant 6 : i32
    %rem3A_99 = arith.constant 200 : i32
    %rem3A_100 = arith.remsi %rem3A_98, %rem3A_99 : i32
    %mul3A_101 = arith.constant 128 : i32
    %mul3A_102 = arith.muli %rem3A_100, %mul3A_101 : i32
    %dma_start3A_103 = tpu.memref_slice %arg6[%mul3A_102] : memref<25600xi32, #tpu.memory_space<vmem>> -> memref<128xi32, #tpu.memory_space<vmem>>
    %dma_start3A_104 = arith.constant 0 : i32
    %dma_start3A_105 = arith.constant 0 : i32
    %dma_start3A_106 = tpu.memref_slice %arg5[%dma_start3A_104, %dma_start3A_105] : memref<1000x128xf32, #tpu.memory_space<vmem_shared>> -> memref<1000x128xf32, #tpu.memory_space<vmem_shared>>
    tpu.enqueue_indirect_dma source(%dma_start3A_106 : memref<1000x128xf32, #tpu.memory_space<vmem_shared>>) target(%arg8 : memref<128x128xf32, #tpu.memory_space<vmem>>) offsets(%dma_start3A_103 : memref<128xi32, #tpu.memory_space<vmem>>) semaphore(%arg13 : memref<!tpu.dma_semaphore, #tpu.memory_space<semaphore_mem>>)
    %dma_wait3A_107 = arith.constant 512 : i32
    %dma_wait3A_108 = tpu.memref_slice %arg6[%dma_wait3A_107] : memref<25600xi32, #tpu.memory_space<vmem>> -> memref<128xi32, #tpu.memory_space<vmem>>
    %dma_wait3A_109 = arith.constant 0 : i32
    %dma_wait3A_110 = arith.constant 0 : i32
    %dma_wait3A_111 = tpu.memref_slice %arg5[%dma_wait3A_109, %dma_wait3A_110] : memref<1000x128xf32, #tpu.memory_space<vmem_shared>> -> memref<1000x128xf32, #tpu.memory_space<vmem_shared>>
    tpu.wait_indirect_dma semaphore(%arg16 : memref<!tpu.dma_semaphore, #tpu.memory_space<semaphore_mem>>) src(%dma_wait3A_111 : memref<1000x128xf32, #tpu.memory_space<vmem_shared>>) dst(%arg11 : memref<128x128xf32, #tpu.memory_space<vmem>>)
    %add3A_112 = arith.constant 512 : i32
    %add3A_113 = arith.addi %mul3A_2, %add3A_112 : i32
    %dma_start3A_114 = arith.constant 0 : i32
    %dma_start3A_115 = tpu.memref_slice %arg4[%add3A_113, %dma_start3A_114] : memref<819200x128xf32, #tpu.memory_space<hbm>> -> memref<128x128xf32, #tpu.memory_space<hbm>>
    %dma_start3A_116 = arith.constant 0 : i32
    %dma_start3A_117 = tpu.memref_slice %arg4[%add3A_113, %dma_start3A_116] : memref<819200x128xf32, #tpu.memory_space<hbm>> -> memref<128x128xf32, #tpu.memory_space<hbm>>
    tpu.enqueue_dma source(%arg11 : memref<128x128xf32, #tpu.memory_space<vmem>>) target(%dma_start3A_117 : memref<128x128xf32, #tpu.memory_space<hbm>>) target_semaphore(%arg21 : memref<!tpu.dma_semaphore, #tpu.memory_space<semaphore_mem>>)
    %dma_wait3A_118 = arith.constant 0 : i32
    %dma_wait3A_119 = tpu.memref_slice %arg4[%mul3A_2, %dma_wait3A_118] : memref<819200x128xf32, #tpu.memory_space<hbm>> -> memref<128x128xf32, #tpu.memory_space<hbm>>
    %dma_wait3A_120 = arith.constant 0 : i32
    %dma_wait3A_121 = tpu.memref_slice %arg4[%mul3A_2, %dma_wait3A_120] : memref<819200x128xf32, #tpu.memory_space<hbm>> -> memref<128x128xf32, #tpu.memory_space<hbm>>
    tpu.wait_dma2 semaphore(%arg19 : memref<!tpu.dma_semaphore, #tpu.memory_space<semaphore_mem>>) src(%arg9 : memref<128x128xf32, #tpu.memory_space<vmem>>) dst(%dma_wait3A_121 : memref<128x128xf32, #tpu.memory_space<hbm>>)
    %rem3A_122 = arith.constant 7 : i32
    %rem3A_123 = arith.constant 200 : i32
    %rem3A_124 = arith.remsi %rem3A_122, %rem3A_123 : i32
    %mul3A_125 = arith.constant 128 : i32
    %mul3A_126 = arith.muli %rem3A_124, %mul3A_125 : i32
    %dma_start3A_127 = tpu.memref_slice %arg6[%mul3A_126] : memref<25600xi32, #tpu.memory_space<vmem>> -> memref<128xi32, #tpu.memory_space<vmem>>
    %dma_start3A_128 = arith.constant 0 : i32
    %dma_start3A_129 = arith.constant 0 : i32
    %dma_start3A_130 = tpu.memref_slice %arg5[%dma_start3A_128, %dma_start3A_129] : memref<1000x128xf32, #tpu.memory_space<vmem_shared>> -> memref<1000x128xf32, #tpu.memory_space<vmem_shared>>
    tpu.enqueue_indirect_dma source(%dma_start3A_130 : memref<1000x128xf32, #tpu.memory_space<vmem_shared>>) target(%arg9 : memref<128x128xf32, #tpu.memory_space<vmem>>) offsets(%dma_start3A_127 : memref<128xi32, #tpu.memory_space<vmem>>) semaphore(%arg14 : memref<!tpu.dma_semaphore, #tpu.memory_space<semaphore_mem>>)
    %scan3A = arith.constant 0 : i32
    %scan3A_131 = arith.constant 1 : i32
    %scan3A_132 = arith.constant 39 : i32
    %scan3A_133 = arith.addi %scan3A_131, %scan3A_132 : i32
    %scan3A_134 = arith.constant 1 : i32
    scf.for %scan3A_159 = %scan3A_131 to %scan3A_133 step %scan3A_134  : i32 {
      %mul3A_160 = arith.constant 5 : i32
      %mul3A_161 = arith.muli %scan3A_159, %mul3A_160 : i32
      %add3A_162 = arith.constant 0 : i32
      %add3A_163 = arith.addi %mul3A_161, %add3A_162 : i32
      %mul3A_164 = arith.constant 128 : i32
      %mul3A_165 = arith.muli %add3A_163, %mul3A_164 : i32
      %dma_wait3A_166 = tpu.memref_slice %arg6[%mul3A_165] : memref<25600xi32, #tpu.memory_space<vmem>> -> memref<128xi32, #tpu.memory_space<vmem>>
      %dma_wait3A_167 = arith.constant 0 : i32
      %dma_wait3A_168 = arith.constant 0 : i32
      %dma_wait3A_169 = tpu.memref_slice %arg5[%dma_wait3A_167, %dma_wait3A_168] : memref<1000x128xf32, #tpu.memory_space<vmem_shared>> -> memref<1000x128xf32, #tpu.memory_space<vmem_shared>>
      tpu.wait_indirect_dma semaphore(%arg12 : memref<!tpu.dma_semaphore, #tpu.memory_space<semaphore_mem>>) src(%dma_wait3A_169 : memref<1000x128xf32, #tpu.memory_space<vmem_shared>>) dst(%arg7 : memref<128x128xf32, #tpu.memory_space<vmem>>)
      %mul3A_170 = arith.constant 128 : i32
      %mul3A_171 = arith.muli %add3A_163, %mul3A_170 : i32
      %add3A_172 = arith.addi %mul3A_2, %mul3A_171 : i32
      %dma_start3A_173 = arith.constant 0 : i32
      %dma_start3A_174 = tpu.memref_slice %arg4[%add3A_172, %dma_start3A_173] : memref<819200x128xf32, #tpu.memory_space<hbm>> -> memref<128x128xf32, #tpu.memory_space<hbm>>
      %dma_start3A_175 = arith.constant 0 : i32
      %dma_start3A_176 = tpu.memref_slice %arg4[%add3A_172, %dma_start3A_175] : memref<819200x128xf32, #tpu.memory_space<hbm>> -> memref<128x128xf32, #tpu.memory_space<hbm>>
      tpu.enqueue_dma source(%arg7 : memref<128x128xf32, #tpu.memory_space<vmem>>) target(%dma_start3A_176 : memref<128x128xf32, #tpu.memory_space<hbm>>) target_semaphore(%arg17 : memref<!tpu.dma_semaphore, #tpu.memory_space<semaphore_mem>>)
      %dma_wait3A_177 = arith.constant 0 : i32
      %dma_wait3A_178 = tpu.memref_slice %arg4[%mul3A_2, %dma_wait3A_177] : memref<819200x128xf32, #tpu.memory_space<hbm>> -> memref<128x128xf32, #tpu.memory_space<hbm>>
      %dma_wait3A_179 = arith.constant 0 : i32
      %dma_wait3A_180 = tpu.memref_slice %arg4[%mul3A_2, %dma_wait3A_179] : memref<819200x128xf32, #tpu.memory_space<hbm>> -> memref<128x128xf32, #tpu.memory_space<hbm>>
      tpu.wait_dma2 semaphore(%arg20 : memref<!tpu.dma_semaphore, #tpu.memory_space<semaphore_mem>>) src(%arg10 : memref<128x128xf32, #tpu.memory_space<vmem>>) dst(%dma_wait3A_180 : memref<128x128xf32, #tpu.memory_space<hbm>>)
      %add3A_181 = arith.constant 3 : i32
      %add3A_182 = arith.addi %add3A_163, %add3A_181 : i32
      %rem3A_183 = arith.constant 200 : i32
      %rem3A_184 = arith.remsi %add3A_182, %rem3A_183 : i32
      %mul3A_185 = arith.constant 128 : i32
      %mul3A_186 = arith.muli %rem3A_184, %mul3A_185 : i32
      %dma_start3A_187 = tpu.memref_slice %arg6[%mul3A_186] : memref<25600xi32, #tpu.memory_space<vmem>> -> memref<128xi32, #tpu.memory_space<vmem>>
      %dma_start3A_188 = arith.constant 0 : i32
      %dma_start3A_189 = arith.constant 0 : i32
      %dma_start3A_190 = tpu.memref_slice %arg5[%dma_start3A_188, %dma_start3A_189] : memref<1000x128xf32, #tpu.memory_space<vmem_shared>> -> memref<1000x128xf32, #tpu.memory_space<vmem_shared>>
      tpu.enqueue_indirect_dma source(%dma_start3A_190 : memref<1000x128xf32, #tpu.memory_space<vmem_shared>>) target(%arg10 : memref<128x128xf32, #tpu.memory_space<vmem>>) offsets(%dma_start3A_187 : memref<128xi32, #tpu.memory_space<vmem>>) semaphore(%arg15 : memref<!tpu.dma_semaphore, #tpu.memory_space<semaphore_mem>>)
      %mul3A_191 = arith.constant 5 : i32
      %mul3A_192 = arith.muli %scan3A_159, %mul3A_191 : i32
      %add3A_193 = arith.constant 1 : i32
      %add3A_194 = arith.addi %mul3A_192, %add3A_193 : i32
      %mul3A_195 = arith.constant 128 : i32
      %mul3A_196 = arith.muli %add3A_194, %mul3A_195 : i32
      %dma_wait3A_197 = tpu.memref_slice %arg6[%mul3A_196] : memref<25600xi32, #tpu.memory_space<vmem>> -> memref<128xi32, #tpu.memory_space<vmem>>
      %dma_wait3A_198 = arith.constant 0 : i32
      %dma_wait3A_199 = arith.constant 0 : i32
      %dma_wait3A_200 = tpu.memref_slice %arg5[%dma_wait3A_198, %dma_wait3A_199] : memref<1000x128xf32, #tpu.memory_space<vmem_shared>> -> memref<1000x128xf32, #tpu.memory_space<vmem_shared>>
      tpu.wait_indirect_dma semaphore(%arg13 : memref<!tpu.dma_semaphore, #tpu.memory_space<semaphore_mem>>) src(%dma_wait3A_200 : memref<1000x128xf32, #tpu.memory_space<vmem_shared>>) dst(%arg8 : memref<128x128xf32, #tpu.memory_space<vmem>>)
      %mul3A_201 = arith.constant 128 : i32
      %mul3A_202 = arith.muli %add3A_194, %mul3A_201 : i32
      %add3A_203 = arith.addi %mul3A_2, %mul3A_202 : i32
      %dma_start3A_204 = arith.constant 0 : i32
      %dma_start3A_205 = tpu.memref_slice %arg4[%add3A_203, %dma_start3A_204] : memref<819200x128xf32, #tpu.memory_space<hbm>> -> memref<128x128xf32, #tpu.memory_space<hbm>>
      %dma_start3A_206 = arith.constant 0 : i32
      %dma_start3A_207 = tpu.memref_slice %arg4[%add3A_203, %dma_start3A_206] : memref<819200x128xf32, #tpu.memory_space<hbm>> -> memref<128x128xf32, #tpu.memory_space<hbm>>
      tpu.enqueue_dma source(%arg8 : memref<128x128xf32, #tpu.memory_space<vmem>>) target(%dma_start3A_207 : memref<128x128xf32, #tpu.memory_space<hbm>>) target_semaphore(%arg18 : memref<!tpu.dma_semaphore, #tpu.memory_space<semaphore_mem>>)
      %dma_wait3A_208 = arith.constant 0 : i32
      %dma_wait3A_209 = tpu.memref_slice %arg4[%mul3A_2, %dma_wait3A_208] : memref<819200x128xf32, #tpu.memory_space<hbm>> -> memref<128x128xf32, #tpu.memory_space<hbm>>
      %dma_wait3A_210 = arith.constant 0 : i32
      %dma_wait3A_211 = tpu.memref_slice %arg4[%mul3A_2, %dma_wait3A_210] : memref<819200x128xf32, #tpu.memory_space<hbm>> -> memref<128x128xf32, #tpu.memory_space<hbm>>
      tpu.wait_dma2 semaphore(%arg21 : memref<!tpu.dma_semaphore, #tpu.memory_space<semaphore_mem>>) src(%arg11 : memref<128x128xf32, #tpu.memory_space<vmem>>) dst(%dma_wait3A_211 : memref<128x128xf32, #tpu.memory_space<hbm>>)
      %add3A_212 = arith.constant 3 : i32
      %add3A_213 = arith.addi %add3A_194, %add3A_212 : i32
      %rem3A_214 = arith.constant 200 : i32
      %rem3A_215 = arith.remsi %add3A_213, %rem3A_214 : i32
      %mul3A_216 = arith.constant 128 : i32
      %mul3A_217 = arith.muli %rem3A_215, %mul3A_216 : i32
      %dma_start3A_218 = tpu.memref_slice %arg6[%mul3A_217] : memref<25600xi32, #tpu.memory_space<vmem>> -> memref<128xi32, #tpu.memory_space<vmem>>
      %dma_start3A_219 = arith.constant 0 : i32
      %dma_start3A_220 = arith.constant 0 : i32
      %dma_start3A_221 = tpu.memref_slice %arg5[%dma_start3A_219, %dma_start3A_220] : memref<1000x128xf32, #tpu.memory_space<vmem_shared>> -> memref<1000x128xf32, #tpu.memory_space<vmem_shared>>
      tpu.enqueue_indirect_dma source(%dma_start3A_221 : memref<1000x128xf32, #tpu.memory_space<vmem_shared>>) target(%arg11 : memref<128x128xf32, #tpu.memory_space<vmem>>) offsets(%dma_start3A_218 : memref<128xi32, #tpu.memory_space<vmem>>) semaphore(%arg16 : memref<!tpu.dma_semaphore, #tpu.memory_space<semaphore_mem>>)
      %mul3A_222 = arith.constant 5 : i32
      %mul3A_223 = arith.muli %scan3A_159, %mul3A_222 : i32
      %add3A_224 = arith.constant 2 : i32
      %add3A_225 = arith.addi %mul3A_223, %add3A_224 : i32
      %mul3A_226 = arith.constant 128 : i32
      %mul3A_227 = arith.muli %add3A_225, %mul3A_226 : i32
      %dma_wait3A_228 = tpu.memref_slice %arg6[%mul3A_227] : memref<25600xi32, #tpu.memory_space<vmem>> -> memref<128xi32, #tpu.memory_space<vmem>>
      %dma_wait3A_229 = arith.constant 0 : i32
      %dma_wait3A_230 = arith.constant 0 : i32
      %dma_wait3A_231 = tpu.memref_slice %arg5[%dma_wait3A_229, %dma_wait3A_230] : memref<1000x128xf32, #tpu.memory_space<vmem_shared>> -> memref<1000x128xf32, #tpu.memory_space<vmem_shared>>
      tpu.wait_indirect_dma semaphore(%arg14 : memref<!tpu.dma_semaphore, #tpu.memory_space<semaphore_mem>>) src(%dma_wait3A_231 : memref<1000x128xf32, #tpu.memory_space<vmem_shared>>) dst(%arg9 : memref<128x128xf32, #tpu.memory_space<vmem>>)
      %mul3A_232 = arith.constant 128 : i32
      %mul3A_233 = arith.muli %add3A_225, %mul3A_232 : i32
      %add3A_234 = arith.addi %mul3A_2, %mul3A_233 : i32
      %dma_start3A_235 = arith.constant 0 : i32
      %dma_start3A_236 = tpu.memref_slice %arg4[%add3A_234, %dma_start3A_235] : memref<819200x128xf32, #tpu.memory_space<hbm>> -> memref<128x128xf32, #tpu.memory_space<hbm>>
      %dma_start3A_237 = arith.constant 0 : i32
      %dma_start3A_238 = tpu.memref_slice %arg4[%add3A_234, %dma_start3A_237] : memref<819200x128xf32, #tpu.memory_space<hbm>> -> memref<128x128xf32, #tpu.memory_space<hbm>>
      tpu.enqueue_dma source(%arg9 : memref<128x128xf32, #tpu.memory_space<vmem>>) target(%dma_start3A_238 : memref<128x128xf32, #tpu.memory_space<hbm>>) target_semaphore(%arg19 : memref<!tpu.dma_semaphore, #tpu.memory_space<semaphore_mem>>)
      %dma_wait3A_239 = arith.constant 0 : i32
      %dma_wait3A_240 = tpu.memref_slice %arg4[%mul3A_2, %dma_wait3A_239] : memref<819200x128xf32, #tpu.memory_space<hbm>> -> memref<128x128xf32, #tpu.memory_space<hbm>>
      %dma_wait3A_241 = arith.constant 0 : i32
      %dma_wait3A_242 = tpu.memref_slice %arg4[%mul3A_2, %dma_wait3A_241] : memref<819200x128xf32, #tpu.memory_space<hbm>> -> memref<128x128xf32, #tpu.memory_space<hbm>>
      tpu.wait_dma2 semaphore(%arg17 : memref<!tpu.dma_semaphore, #tpu.memory_space<semaphore_mem>>) src(%arg7 : memref<128x128xf32, #tpu.memory_space<vmem>>) dst(%dma_wait3A_242 : memref<128x128xf32, #tpu.memory_space<hbm>>)
      %add3A_243 = arith.constant 3 : i32
      %add3A_244 = arith.addi %add3A_225, %add3A_243 : i32
      %rem3A_245 = arith.constant 200 : i32
      %rem3A_246 = arith.remsi %add3A_244, %rem3A_245 : i32
      %mul3A_247 = arith.constant 128 : i32
      %mul3A_248 = arith.muli %rem3A_246, %mul3A_247 : i32
      %dma_start3A_249 = tpu.memref_slice %arg6[%mul3A_248] : memref<25600xi32, #tpu.memory_space<vmem>> -> memref<128xi32, #tpu.memory_space<vmem>>
      %dma_start3A_250 = arith.constant 0 : i32
      %dma_start3A_251 = arith.constant 0 : i32
      %dma_start3A_252 = tpu.memref_slice %arg5[%dma_start3A_250, %dma_start3A_251] : memref<1000x128xf32, #tpu.memory_space<vmem_shared>> -> memref<1000x128xf32, #tpu.memory_space<vmem_shared>>
      tpu.enqueue_indirect_dma source(%dma_start3A_252 : memref<1000x128xf32, #tpu.memory_space<vmem_shared>>) target(%arg7 : memref<128x128xf32, #tpu.memory_space<vmem>>) offsets(%dma_start3A_249 : memref<128xi32, #tpu.memory_space<vmem>>) semaphore(%arg12 : memref<!tpu.dma_semaphore, #tpu.memory_space<semaphore_mem>>)
      %mul3A_253 = arith.constant 5 : i32
      %mul3A_254 = arith.muli %scan3A_159, %mul3A_253 : i32
      %add3A_255 = arith.constant 3 : i32
      %add3A_256 = arith.addi %mul3A_254, %add3A_255 : i32
      %mul3A_257 = arith.constant 128 : i32
      %mul3A_258 = arith.muli %add3A_256, %mul3A_257 : i32
      %dma_wait3A_259 = tpu.memref_slice %arg6[%mul3A_258] : memref<25600xi32, #tpu.memory_space<vmem>> -> memref<128xi32, #tpu.memory_space<vmem>>
      %dma_wait3A_260 = arith.constant 0 : i32
      %dma_wait3A_261 = arith.constant 0 : i32
      %dma_wait3A_262 = tpu.memref_slice %arg5[%dma_wait3A_260, %dma_wait3A_261] : memref<1000x128xf32, #tpu.memory_space<vmem_shared>> -> memref<1000x128xf32, #tpu.memory_space<vmem_shared>>
      tpu.wait_indirect_dma semaphore(%arg15 : memref<!tpu.dma_semaphore, #tpu.memory_space<semaphore_mem>>) src(%dma_wait3A_262 : memref<1000x128xf32, #tpu.memory_space<vmem_shared>>) dst(%arg10 : memref<128x128xf32, #tpu.memory_space<vmem>>)
      %mul3A_263 = arith.constant 128 : i32
      %mul3A_264 = arith.muli %add3A_256, %mul3A_263 : i32
      %add3A_265 = arith.addi %mul3A_2, %mul3A_264 : i32
      %dma_start3A_266 = arith.constant 0 : i32
      %dma_start3A_267 = tpu.memref_slice %arg4[%add3A_265, %dma_start3A_266] : memref<819200x128xf32, #tpu.memory_space<hbm>> -> memref<128x128xf32, #tpu.memory_space<hbm>>
      %dma_start3A_268 = arith.constant 0 : i32
      %dma_start3A_269 = tpu.memref_slice %arg4[%add3A_265, %dma_start3A_268] : memref<819200x128xf32, #tpu.memory_space<hbm>> -> memref<128x128xf32, #tpu.memory_space<hbm>>
      tpu.enqueue_dma source(%arg10 : memref<128x128xf32, #tpu.memory_space<vmem>>) target(%dma_start3A_269 : memref<128x128xf32, #tpu.memory_space<hbm>>) target_semaphore(%arg20 : memref<!tpu.dma_semaphore, #tpu.memory_space<semaphore_mem>>)
      %dma_wait3A_270 = arith.constant 0 : i32
      %dma_wait3A_271 = tpu.memref_slice %arg4[%mul3A_2, %dma_wait3A_270] : memref<819200x128xf32, #tpu.memory_space<hbm>> -> memref<128x128xf32, #tpu.memory_space<hbm>>
      %dma_wait3A_272 = arith.constant 0 : i32
      %dma_wait3A_273 = tpu.memref_slice %arg4[%mul3A_2, %dma_wait3A_272] : memref<819200x128xf32, #tpu.memory_space<hbm>> -> memref<128x128xf32, #tpu.memory_space<hbm>>
      tpu.wait_dma2 semaphore(%arg18 : memref<!tpu.dma_semaphore, #tpu.memory_space<semaphore_mem>>) src(%arg8 : memref<128x128xf32, #tpu.memory_space<vmem>>) dst(%dma_wait3A_273 : memref<128x128xf32, #tpu.memory_space<hbm>>)
      %add3A_274 = arith.constant 3 : i32
      %add3A_275 = arith.addi %add3A_256, %add3A_274 : i32
      %rem3A_276 = arith.constant 200 : i32
      %rem3A_277 = arith.remsi %add3A_275, %rem3A_276 : i32
      %mul3A_278 = arith.constant 128 : i32
      %mul3A_279 = arith.muli %rem3A_277, %mul3A_278 : i32
      %dma_start3A_280 = tpu.memref_slice %arg6[%mul3A_279] : memref<25600xi32, #tpu.memory_space<vmem>> -> memref<128xi32, #tpu.memory_space<vmem>>
      %dma_start3A_281 = arith.constant 0 : i32
      %dma_start3A_282 = arith.constant 0 : i32
      %dma_start3A_283 = tpu.memref_slice %arg5[%dma_start3A_281, %dma_start3A_282] : memref<1000x128xf32, #tpu.memory_space<vmem_shared>> -> memref<1000x128xf32, #tpu.memory_space<vmem_shared>>
      tpu.enqueue_indirect_dma source(%dma_start3A_283 : memref<1000x128xf32, #tpu.memory_space<vmem_shared>>) target(%arg8 : memref<128x128xf32, #tpu.memory_space<vmem>>) offsets(%dma_start3A_280 : memref<128xi32, #tpu.memory_space<vmem>>) semaphore(%arg13 : memref<!tpu.dma_semaphore, #tpu.memory_space<semaphore_mem>>)
      %mul3A_284 = arith.constant 5 : i32
      %mul3A_285 = arith.muli %scan3A_159, %mul3A_284 : i32
      %add3A_286 = arith.constant 4 : i32
      %add3A_287 = arith.addi %mul3A_285, %add3A_286 : i32
      %mul3A_288 = arith.constant 128 : i32
      %mul3A_289 = arith.muli %add3A_287, %mul3A_288 : i32
      %dma_wait3A_290 = tpu.memref_slice %arg6[%mul3A_289] : memref<25600xi32, #tpu.memory_space<vmem>> -> memref<128xi32, #tpu.memory_space<vmem>>
      %dma_wait3A_291 = arith.constant 0 : i32
      %dma_wait3A_292 = arith.constant 0 : i32
      %dma_wait3A_293 = tpu.memref_slice %arg5[%dma_wait3A_291, %dma_wait3A_292] : memref<1000x128xf32, #tpu.memory_space<vmem_shared>> -> memref<1000x128xf32, #tpu.memory_space<vmem_shared>>
      tpu.wait_indirect_dma semaphore(%arg16 : memref<!tpu.dma_semaphore, #tpu.memory_space<semaphore_mem>>) src(%dma_wait3A_293 : memref<1000x128xf32, #tpu.memory_space<vmem_shared>>) dst(%arg11 : memref<128x128xf32, #tpu.memory_space<vmem>>)
      %mul3A_294 = arith.constant 128 : i32
      %mul3A_295 = arith.muli %add3A_287, %mul3A_294 : i32
      %add3A_296 = arith.addi %mul3A_2, %mul3A_295 : i32
      %dma_start3A_297 = arith.constant 0 : i32
      %dma_start3A_298 = tpu.memref_slice %arg4[%add3A_296, %dma_start3A_297] : memref<819200x128xf32, #tpu.memory_space<hbm>> -> memref<128x128xf32, #tpu.memory_space<hbm>>
      %dma_start3A_299 = arith.constant 0 : i32
      %dma_start3A_300 = tpu.memref_slice %arg4[%add3A_296, %dma_start3A_299] : memref<819200x128xf32, #tpu.memory_space<hbm>> -> memref<128x128xf32, #tpu.memory_space<hbm>>
      tpu.enqueue_dma source(%arg11 : memref<128x128xf32, #tpu.memory_space<vmem>>) target(%dma_start3A_300 : memref<128x128xf32, #tpu.memory_space<hbm>>) target_semaphore(%arg21 : memref<!tpu.dma_semaphore, #tpu.memory_space<semaphore_mem>>)
      %dma_wait3A_301 = arith.constant 0 : i32
      %dma_wait3A_302 = tpu.memref_slice %arg4[%mul3A_2, %dma_wait3A_301] : memref<819200x128xf32, #tpu.memory_space<hbm>> -> memref<128x128xf32, #tpu.memory_space<hbm>>
      %dma_wait3A_303 = arith.constant 0 : i32
      %dma_wait3A_304 = tpu.memref_slice %arg4[%mul3A_2, %dma_wait3A_303] : memref<819200x128xf32, #tpu.memory_space<hbm>> -> memref<128x128xf32, #tpu.memory_space<hbm>>
      tpu.wait_dma2 semaphore(%arg19 : memref<!tpu.dma_semaphore, #tpu.memory_space<semaphore_mem>>) src(%arg9 : memref<128x128xf32, #tpu.memory_space<vmem>>) dst(%dma_wait3A_304 : memref<128x128xf32, #tpu.memory_space<hbm>>)
      %add3A_305 = arith.constant 3 : i32
      %add3A_306 = arith.addi %add3A_287, %add3A_305 : i32
      %rem3A_307 = arith.constant 200 : i32
      %rem3A_308 = arith.remsi %add3A_306, %rem3A_307 : i32
      %mul3A_309 = arith.constant 128 : i32
      %mul3A_310 = arith.muli %rem3A_308, %mul3A_309 : i32
      %dma_start3A_311 = tpu.memref_slice %arg6[%mul3A_310] : memref<25600xi32, #tpu.memory_space<vmem>> -> memref<128xi32, #tpu.memory_space<vmem>>
      %dma_start3A_312 = arith.constant 0 : i32
      %dma_start3A_313 = arith.constant 0 : i32
      %dma_start3A_314 = tpu.memref_slice %arg5[%dma_start3A_312, %dma_start3A_313] : memref<1000x128xf32, #tpu.memory_space<vmem_shared>> -> memref<1000x128xf32, #tpu.memory_space<vmem_shared>>
      tpu.enqueue_indirect_dma source(%dma_start3A_314 : memref<1000x128xf32, #tpu.memory_space<vmem_shared>>) target(%arg9 : memref<128x128xf32, #tpu.memory_space<vmem>>) offsets(%dma_start3A_311 : memref<128xi32, #tpu.memory_space<vmem>>) semaphore(%arg14 : memref<!tpu.dma_semaphore, #tpu.memory_space<semaphore_mem>>)
    }
    %scan3A_135 = arith.constant 39 : i32
    %dma_wait3A_136 = arith.constant 0 : i32
    %dma_wait3A_137 = tpu.memref_slice %arg6[%dma_wait3A_136] : memref<25600xi32, #tpu.memory_space<vmem>> -> memref<128xi32, #tpu.memory_space<vmem>>
    %dma_wait3A_138 = arith.constant 0 : i32
    %dma_wait3A_139 = arith.constant 0 : i32
    %dma_wait3A_140 = tpu.memref_slice %arg5[%dma_wait3A_138, %dma_wait3A_139] : memref<1000x128xf32, #tpu.memory_space<vmem_shared>> -> memref<1000x128xf32, #tpu.memory_space<vmem_shared>>
    tpu.wait_indirect_dma semaphore(%arg12 : memref<!tpu.dma_semaphore, #tpu.memory_space<semaphore_mem>>) src(%dma_wait3A_140 : memref<1000x128xf32, #tpu.memory_space<vmem_shared>>) dst(%arg7 : memref<128x128xf32, #tpu.memory_space<vmem>>)
    %dma_wait3A_141 = arith.constant 128 : i32
    %dma_wait3A_142 = tpu.memref_slice %arg6[%dma_wait3A_141] : memref<25600xi32, #tpu.memory_space<vmem>> -> memref<128xi32, #tpu.memory_space<vmem>>
    %dma_wait3A_143 = arith.constant 0 : i32
    %dma_wait3A_144 = arith.constant 0 : i32
    %dma_wait3A_145 = tpu.memref_slice %arg5[%dma_wait3A_143, %dma_wait3A_144] : memref<1000x128xf32, #tpu.memory_space<vmem_shared>> -> memref<1000x128xf32, #tpu.memory_space<vmem_shared>>
    tpu.wait_indirect_dma semaphore(%arg13 : memref<!tpu.dma_semaphore, #tpu.memory_space<semaphore_mem>>) src(%dma_wait3A_145 : memref<1000x128xf32, #tpu.memory_space<vmem_shared>>) dst(%arg8 : memref<128x128xf32, #tpu.memory_space<vmem>>)
    %dma_wait3A_146 = arith.constant 256 : i32
    %dma_wait3A_147 = tpu.memref_slice %arg6[%dma_wait3A_146] : memref<25600xi32, #tpu.memory_space<vmem>> -> memref<128xi32, #tpu.memory_space<vmem>>
    %dma_wait3A_148 = arith.constant 0 : i32
    %dma_wait3A_149 = arith.constant 0 : i32
    %dma_wait3A_150 = tpu.memref_slice %arg5[%dma_wait3A_148, %dma_wait3A_149] : memref<1000x128xf32, #tpu.memory_space<vmem_shared>> -> memref<1000x128xf32, #tpu.memory_space<vmem_shared>>
    tpu.wait_indirect_dma semaphore(%arg14 : memref<!tpu.dma_semaphore, #tpu.memory_space<semaphore_mem>>) src(%dma_wait3A_150 : memref<1000x128xf32, #tpu.memory_space<vmem_shared>>) dst(%arg9 : memref<128x128xf32, #tpu.memory_space<vmem>>)
    %dma_wait3A_151 = arith.constant 0 : i32
    %dma_wait3A_152 = tpu.memref_slice %arg4[%mul3A_2, %dma_wait3A_151] : memref<819200x128xf32, #tpu.memory_space<hbm>> -> memref<128x128xf32, #tpu.memory_space<hbm>>
    %dma_wait3A_153 = arith.constant 0 : i32
    %dma_wait3A_154 = tpu.memref_slice %arg4[%mul3A_2, %dma_wait3A_153] : memref<819200x128xf32, #tpu.memory_space<hbm>> -> memref<128x128xf32, #tpu.memory_space<hbm>>
    tpu.wait_dma2 semaphore(%arg20 : memref<!tpu.dma_semaphore, #tpu.memory_space<semaphore_mem>>) src(%arg10 : memref<128x128xf32, #tpu.memory_space<vmem>>) dst(%dma_wait3A_154 : memref<128x128xf32, #tpu.memory_space<hbm>>)
    %dma_wait3A_155 = arith.constant 0 : i32
    %dma_wait3A_156 = tpu.memref_slice %arg4[%mul3A_2, %dma_wait3A_155] : memref<819200x128xf32, #tpu.memory_space<hbm>> -> memref<128x128xf32, #tpu.memory_space<hbm>>
    %dma_wait3A_157 = arith.constant 0 : i32
    %dma_wait3A_158 = tpu.memref_slice %arg4[%mul3A_2, %dma_wait3A_157] : memref<819200x128xf32, #tpu.memory_space<hbm>> -> memref<128x128xf32, #tpu.memory_space<hbm>>
    tpu.wait_dma2 semaphore(%arg21 : memref<!tpu.dma_semaphore, #tpu.memory_space<semaphore_mem>>) src(%arg11 : memref<128x128xf32, #tpu.memory_space<vmem>>) dst(%dma_wait3A_158 : memref<128x128xf32, #tpu.memory_space<hbm>>)
    return
  }
}

</mosaic_0001>

<sc_bundles>
// kernel: kernel.3.cloned.1.call-start
scs
__scs_entry_jumppad:
0x0: {  	(pc) =	sbr.rel $0x88, $3  }
0x1: {  	(tag) =	ssettag $0x0;
	lr =	simm.s32 $0x1  }
0x2: {  	[smem:$0x3F9F] =	sst lr;
	_ =	strace $0xD0000000  }
0x3: {  	_ = 	snop  }
0x4: {  	_ = 	snop  }
0x5: {  	_ = 	snop  }
0x6: {  	_ = 	snop  }
0x7: {  	_ = 	snop  }
__scs_overlays_trampoline_lowered:
0x8: {  	[smem:$0x3FAE] =	sst s0  }
0x9: {  	[smem:$0x3FAF] =	sst s1  }
0xa: {  	[smem:$0x3FB0] =	sst s2  }
0xb: {  	[smem:$0x3FB1] =	sst s3  }
0xc: {  	[smem:$0x3FB2] =	sst s4  }
0xd: {  	[smem:$0x3FB3] =	sst s5  }
0xe: {  	[smem:$0x3FB4] =	sst s6  }
0xf: {  	[smem:$0x3FB5] =	sst s7  }
0x10: {  	[smem:$0x3FB6] =	sst s8  }
0x11: {  	[smem:$0x3FB7] =	sst s9;
	s0 =	simm.s32 @!p0 $0x0  }
0x12: {  	s1 =	sld [smem:$0x3F9D];
	s0 =	simm.s32 @p0 $0x1  }
0x13: {  	[smem:$0x3FB8] =	sst s0;
	s0 =	simm.s32 @!p1 $0x0  }
0x14: {  	s2 =	sld [smem:$0x3F9C];
	s0 =	simm.s32 @p1 $0x1  }
0x15: {  	[smem:$0x3FB9] =	sst s0;
	s0 =	simm.s32 @!p2 $0x0  }
0x16: {  	s3 =	sld [smem:$0x3FDB];
	s0 =	simm.s32 @p2 $0x1  }
0x17: {  	s4 =	simm.s32 $0x1BF5;
	[smem:$0x3FBB] =	sst s0  }
0x18: {  	s0 =	sld [smem:$0x3F9E];
	_ =	swait.ge [sflag:s4], $0x0  }
0x19: {  	s7 =	sld [smem:$0x3F9F]  }
0x1a: {  	s8 =	sadd.s32 $0xFFFFE003, lr  }
0x1b: {  	s9 =	sadd.s32 $0xFFFFFEF7, lr;
	s5 =	simm.s32 $0xFFFFFFFF;
	p2 =	slt.u32 s8, $0xFFFFF086  }
0x1c: {  	p1 =	slt.u32 s9, $0xF7A;
	s5 =	simm.s32 @!p2 $0x0  }
0x1d: {  	s5 =	simm.s32 @p1 $0x1;
	p0 =	seq.s32 s7, s2  }
0x1e: {  	s7 =	smul.u32 @!p0 $0xF7A, s2;
	p2 =	seq.s32 @!p0 s5, $0x0  }
0x1f: {  	s9 =	smul.u32 $0xF7A, s1;
	s8 =	simm.s32 @!p0 $0x1BF5;
	p2 =	por !p2, p0  }
0x20: {  	[sflag:s8] =	ssyncset.s32 @!p0 $0xFFFFF086;
	s6 =	sadd.s32 @!p0 s3, s7;
	s7 =	simm.s32 @!p0 $0x108  }
0x21: {  	s3 =	sadd.s32 s3, s9;
	s6 =	sadd.s32 @!p0 $0x88, s6;
	s7 =	simm.s32 @p2 $0x1082  }
0x22: {  	[simem:s7], [sflag:s8] =	dma.local @!p0 [hbm:s6], $0xF7A  }
0x23: {  	s9 =	sor.u32 $0xD0000000, s2;
	s6 =	simm.s32 $0x108;
	_ =	swait.ge @!p0 [sflag:s8], $0x0  }
0x24: {  	s3 =	sadd.s32 $0x88, s3;
	s6 =	simm.s32 @!p1 $0x1082;
	[sflag:s4] =	ssyncset.s32 $0xFFFFF086  }
0x25: {  	[simem:s6], [sflag:s4] =	dma.local [hbm:s3], $0xF7A  }
0x26: {  	[smem:$0x3F9F] =	sst s1;
	(tag) =	ssettag s2;
	_ =	strace s9  }
0x27: {  	s1 =	sld [smem:$0x3FAF]  }
0x28: {  	s2 =	sld [smem:$0x3FB0]  }
0x29: {  	s4 =	sld [smem:$0x3FB2]  }
0x2a: {  	p0 =	seq.s32 s5, $0x0;
	s5 =	sld [smem:$0x3FB3]  }
0x2b: {  	s6 =	sld [smem:$0x3FB4]  }
0x2c: {  	s7 =	sld [smem:$0x3FB5]  }
0x2d: {  	s3 =	simm.s32 $0x108;
	s8 =	sld [smem:$0x3FB6]  }
0x2e: {  	s3 =	simm.s32 @!p0 $0x1082;
	s9 =	sld [smem:$0x3FB7]  }
0x2f: {  	lr =	sadd.s32 s0, s3;
	s0 =	sld [smem:$0x3FAE]  }
0x30: {  	s3 =	sld [smem:$0x3FB1]  }
0x31: {  	[smem:$0x3FBA] =	sst s10  }
0x32: {  	s10 =	sld [smem:$0x3FB8];
	_ =	sdelay $0x3  }
0x33: {  	p0 =	seq.s32 s10, $0x1;
	s10 =	sld [smem:$0x3FBA];
	_ =	sdelay $0x3  }
0x34: {  	[smem:$0x3FBA] =	sst s10  }
0x35: {  	s10 =	sld [smem:$0x3FB9];
	_ =	sdelay $0x3  }
0x36: {  	p1 =	seq.s32 s10, $0x1;
	s10 =	sld [smem:$0x3FBA];
	_ =	sdelay $0x3  }
0x37: {  	[smem:$0x3FBA] =	sst s10  }
0x38: {  	s10 =	sld [smem:$0x3FBB]  }
0x39: {  	_ = 	snop;
	(pc) =	sbr.ind lr, $3  }
0x3a: {  	_ = 	snop  }
0x3b: {  	_ = 	snop  }
0x3c: {  	p2 =	seq.s32 s10, $0x1;
	s10 =	sld [smem:$0x3FBA]  }
0x3d: {  	_ =	shalt  }
0x3e: {  	_ =	shalt  }
0x3f: {  	_ =	shalt  }
0x40: {  	_ =	shalt  }
0x41: {  	_ =	shalt  }
0x42: {  	_ =	shalt  }
0x43: {  	_ =	shalt  }
0x44: {  	_ =	shalt  }
0x45: {  	_ =	shalt  }
0x46: {  	_ =	shalt  }
0x47: {  	_ =	shalt  }
0x48: {  	_ =	shalt  }
0x49: {  	_ =	shalt  }
0x4a: {  	_ =	shalt  }
0x4b: {  	_ =	shalt  }
0x4c: {  	_ =	shalt  }
0x4d: {  	_ =	shalt  }
0x4e: {  	_ =	shalt  }
0x4f: {  	_ =	shalt  }
0x50: {  	_ =	shalt  }
0x51: {  	_ =	shalt  }
0x52: {  	_ =	shalt  }
0x53: {  	_ =	shalt  }
0x54: {  	_ =	shalt  }
0x55: {  	_ =	shalt  }
0x56: {  	_ =	shalt  }
0x57: {  	_ =	shalt  }
0x58: {  	_ =	shalt  }
0x59: {  	_ =	shalt  }
0x5a: {  	_ =	shalt  }
0x5b: {  	_ =	shalt  }
0x5c: {  	_ =	shalt  }
0x5d: {  	_ =	shalt  }
0x5e: {  	_ =	shalt  }
0x5f: {  	_ =	shalt  }
0x60: {  	_ =	shalt  }
0x61: {  	_ =	shalt  }
0x62: {  	_ =	shalt  }
0x63: {  	_ =	shalt  }
0x64: {  	_ =	shalt  }
0x65: {  	_ =	shalt  }
0x66: {  	_ =	shalt  }
0x67: {  	_ =	shalt  }
0x68: {  	_ =	shalt  }
0x69: {  	_ =	shalt  }
0x6a: {  	_ =	shalt  }
0x6b: {  	_ =	shalt  }
0x6c: {  	_ =	shalt  }
0x6d: {  	_ =	shalt  }
0x6e: {  	_ =	shalt  }
0x6f: {  	_ =	shalt  }
0x70: {  	_ =	shalt  }
0x71: {  	_ =	shalt  }
0x72: {  	_ =	shalt  }
0x73: {  	_ =	shalt  }
0x74: {  	_ =	shalt  }
0x75: {  	_ =	shalt  }
0x76: {  	_ =	shalt  }
0x77: {  	_ =	shalt  }
0x78: {  	_ =	shalt  }
0x79: {  	_ =	shalt  }
0x7a: {  	_ =	shalt  }
0x7b: {  	_ =	shalt  }
0x7c: {  	_ =	shalt  }
0x7d: {  	_ =	shalt  }
0x7e: {  	_ =	shalt  }
0x7f: {  	_ =	shalt  }
0x80: {  	_ =	shalt  }
0x81: {  	_ =	shalt  }
0x82: {  	_ =	shalt  }
0x83: {  	_ =	shalt  }
0x84: {  	_ =	shalt  }
0x85: {  	_ =	shalt  }
0x86: {  	_ =	shalt  }
0x87: {  	_ =	shalt  }
.Lfunc_end0:
.L_simem_size_0:
called_computation_lowered:
.L_overlay_start_0:
0x88: {  	s2 =	sld [smem:$0x3FD9]  }
0x89: {  	s3 =	sld [smem:$0x3FFE];
	_ =	sdelay $0x1  }
0x8a: {  	s1 =	srdreg.scid  }
0x8b: {  	s0 =	sand.u32 $0x1, s1  }
0x8c: {  	s17 =	sshll.u32 s0, $0xA;
	s2 =	sadd.s32 s3, s2  }
0x8d: {  	s2 =	sadd.s32 s2, s17  }
0x8e: {  	[smem:$0x3FC6] =	sst s2  }
0x8f: {  	_ = 	snop  }
0x90: {  	s2 =	sld [smem:$0x3FC8]  }
0x91: {  	s18 =	sld [smem:$0x3FD0];
	(tm) =	ssettm $0x1  }
0x92: {  	s4 =	sld [smem:$0x3FFB];
	_ =	sdelay $0x3  }
0x93: {  	_ =	strace s4  }
0x94: {  	s4 =	sld [smem:$0x3FFC];
	_ =	sdelay $0x3  }
0x95: {  	_ =	strace s4  }
0x96: {  	s4 =	sld [smem:$0x3FFD];
	_ =	sdelay $0x3  }
0x97: {  	_ =	strace s4  }
0x98: {  	_ =	strace $0x8FFFFFFF  }
0x99: {  	s19 =	sld [smem:$0x3FDB];
	_ =	sdelay $0x1  }
0x9a: {  	s5 =	simm.s32 $_scs_section_size  }
0x9b: {  	s6 =	simm.s32 $_size__tile_overlayer_lowered;
	s7 =	simm.s32 $_tile_overlayer_lowered  }
0x9c: {  	s22 =	simm.s32 $0x1BFF;
	s21 =	sshll.u32 s7, $0x1;
	s4 =	sadd.s32 s5, s19  }
0x9d: {  	s8 =	simm.s32 $0x0;
	s20 =	sshll.u32 s6, $0x1;
	s6 =	sadd.s32 s21, s4  }
0x9e: {  	[timem:s8], [sflag:s22] =	dma.local [hbm:s6], s20  }
0x9f: {  	_ =	swait.ge [sflag:s22], s20  }
0xa0: {  	s5 =	ssub.s32 $0x0, s20;
	[sflag:s22] =	ssyncset.done $0x0  }
0xa1: {  	[sflag:s22] =	ssyncadd.s32 s5;
	_ =	sdelay $0x1  }
0xa2: {  	s23 =	simm.s32 $0x1B8B  }
0xa3: {  	_ =	swait.ge [sflag:s23], $0x1  }
0xa4: {  	[sflag:s23] =	ssyncset.done $0x0  }
0xa5: {  	s25 =	simm.s32 $0x1B8E;
	s24 =	sld [smem:$0x3FFE];
	[sflag:s23] =	ssyncadd.s32 $0xFFFFFFFF  }
0xa6: {  	s26 =	simm.s32 $execute0_lowered;
	[smem:$0x3FD2] =	sst s25  }
0xa7: {  	s6 =	sshll.u32 s26, $0x1;
	_ =	strace $0x80000046;
	[dreg:$0x1] =	wrdreg $0xFFFFFFFF  }
0xa8: {  	s28 =	simm.s32 $_size_execute0_lowered;
	s4 =	sadd.s32 s4, s6;
	[dreg:$0x0] =	wrdreg $0x0  }
0xa9: {  	s6 =	sshll.u32 s28, $0x1;
	[dreg:$0x2] =	wrdreg s4  }
0xaa: {  	[dreg:$0x3] =	wrdreg s6  }
0xab: {  	[dreg:$0x4] =	wrdreg $0xC0  }
0xac: {  	_ =	task [dreg:s8], $0x5FFFF  }
0xad: {  	[dreg:$0x1] =	wrdreg $0xFFFFFFFF  }
0xae: {  	[dreg:$0x0] =	wrdreg $0x60  }
0xaf: {  	[dreg:$0x2] =	wrdreg s24  }
0xb0: {  	[dreg:$0x3] =	wrdreg s2  }
0xb1: {  	[dreg:$0x4] =	wrdreg s18  }
0xb2: {  	[dreg:$0x5] =	wrdreg $0x0  }
0xb3: {  	[dreg:$0x6] =	wrdreg $0x9  }
0xb4: {  	_ =	task.clear_ibuf [dreg:s8], $0x7FFFF;
	_ =	strace $0x90000046  }
0xb5: {  	s29 =	simm.s32 $0x9;
	_ =	strace $0x80000048  }
0xb6: {  	_ =	swait.ge [sflag:s29], $0x1  }
0xb7: {  	[sflag:s29] =	ssyncadd.s32 $0xFFFFFFFF  }
0xb8: {  	_ =	strace $0x90000048  }
0xb9: {  	_ =	sfence  }
0xba: {  	s30 =	sld [smem:$0x0];
	_ =	sdelay $0x2  }
0xbb: {  	s31 =	sshll.u32 s1, $0xD;
	s1 =	sshrl.u32 s1, $0x2  }
0xbc: {  	s3 =	sand.u32 $0x4000, s31;
	s1 =	sadd.s32 s1, s30  }
0xbd: {  	s0 =	sor.u32 s3, s0;
	s1 =	sshll.u32 s1, $0x11  }
0xbe: {  	s0 =	sor.u32 s1, s0  }
0xbf: {  	s0 =	sadd.s32 $0x8F2B, s0  }
0xc0: {  	[sflag:s0] =	ssyncadd.remote.s32 $0x1  }
0xc1: {  	_ =	sfence.sel $0xFFFF  }
0xc2: {  	[dreg:$0x0] =	wrdreg $0xFFFFFFFF;
	(pc) =	sbr.abs _section_cstart, $3  }
0xc3: {  	[dreg:$0x1] =	wrdreg $0xFFFFFFFF  }
0xc4: {  	_ =	task.clear_ibuf [dreg:s8], $0x2FFFF;
	_ =	strace $0x9FFFFFFF  }
0xc5: {  	(tm) =	ssettm $0x7FFFFFFF  }
tec
execute0_lowered:
.L_overlay_start_1:
0x0: {  	(tag) =	ssettag $0x1  }
0x1: {  	s0 =	rddreg [dreg:$0x0];
	s1 =	srdreg.scid  }
0x2: {  	s5 =	stileid.u32;
	s2 =	rddreg [dreg:$0x2]  }
0x3: {  	s3 =	rddreg [dreg:$0x3];
	s13 =	simm.s32 $0x1F40;
	s14 =	simm.s32 $0xB  }
0x4: {  	s15 =	simm.s32 $0x80;
	s28 =	simm.s32 $0x3;
	s29 =	simm.s32 $0x6  }
0x5: {  	s31 =	simm.s32 $0x4;
	s30 =	simm.s32 $0xA;
	s10 =	smul.u32 $0xC8000, s5  }
0x6: {  	s1 =	sand.u32 $0x1, s1;
	s4 =	sshll.u32 s5, $0x1;
	s11 =	smul.u32 $0x640000, s5  }
0x7: {  	p0 =	sne.s32 s5, $0x0;
	s6 =	sor.u32 s1, s4;
	s17 =	smul.u32 $0x320000, s1  }
0x8: {  	s4 =	simm.s32 $0x0;
	s8 =	ssub.s32 $0x2, s1;
	s18 =	smul.u32 $0x64000, s1  }
0x9: {  	s12 =	sshrl.u32 @!p0 s3, $0x3;
	s7 =	smul.u32 $0x6400, s6;
	[smem:$0x7FF] =	sst s4  }
0xa: {  	s6 =	smul.u32 $0x64000, s6;
	s9 =	sshrl.u32 s8, $0x1;
	_ =	strace $0x80000047  }
0xb: {  	s16 =	ssub.s32 s8, s9;
	s21 =	sadd.s32 s17, s11;
	s17 =	simm.s32 $0x5  }
0xc: {  	s7 =	sshrl.u32 s7, $0x3;
	s6 =	sadd.s32 s2, s6;
	s23 =	sadd.s32 $0x24000, s21  }
0xd: {  	s1 =	sadd.s32 $0x20000, s21;
	s11 =	smax.u32 s16, $0x1;
	s19 =	sadd.s32 $0x800, s6  }
0xe: {  	s16 =	simm.s32 $0x8340;
	s20 =	sadd.s32 $0x1000, s6;
	[dreg:$0x9] =	wrdreg s19  }
0xf: {  	s21 =	simm.s32 $0x1;
	s22 =	sadd.s32 $0x1800, s6;
	[dreg:$0xa] =	wrdreg s20  }
0x10: {  	s0 =	sadd.s32 s7, s0;
	s25 =	sadd.s32 $0x2000, s6;
	[dreg:$0xb] =	wrdreg s22  }
0x11: {  	s24 =	sshrl.u32 s23, $0x3;
	s26 =	sshrl.u32 s1, $0x3;
	[dreg:$0xc] =	wrdreg s25  }
0x12: {  	s23 =	simm.s32 $0x14340;
	s1 =	simm.s32 $0x7;
	[dreg:$0x6] =	wrdreg s24  }
0x13: {  	s0 =	sadd.s32 $0x400, s0;
	[dreg:$0x7] =	wrdreg s26;
	s20 =	simm.s32 $0x10340  }
0x14: {  	s24 =	simm.s32 $0x2;
	s26 =	simm.s32 $0x18340;
	s19 =	simm.s32 $0x8  }
0x15: {  	s25 =	simm.s32 $0x9;
	[dreg:$0x8] =	wrdreg s0;
	s0 =	sadd.s32 s18, s10  }
0x16: {  	s18 =	simm.s32 $0xC340;
	[dreg:$0x5] =	wrdreg s0;
	s0 =	simm.s32 $0x0  }
.LBB2_1:
0x17: {  	s5 =	simm.s32 @!p0 $0x1C0B;
	s7 =	rddreg [dreg:$0x1]  }
0x18: {  	[spmem:s12], [sflag:s5] =	dma.local @!p0 [hbm:s7], $0x3E80  }
0x19: {  	s5 =	simm.s32 @!p0 $0xB  }
0x1a: {  	_ =	swait.ge @!p0 [sflag:s5], $0x3E80  }
0x1b: {  	[sflag:s5] =	ssyncset.done @!p0 $0x0  }
0x1c: {  	s7 =	rddreg [dreg:$0x8];
	[sflag:s5] =	ssyncadd.s32 @!p0 $0xFFFFC180  }
0x1d: {  	[tilespmem:s13], [sflag:$0xB] =	stream.linear.gather [hbm4b:s7+s4], $0x6400, $0x38;
	[tilespmem:$0x1C340] =	vst v63  }
0x1e: {  	_ =	swait.ge [sflag:s14], $0x6400  }
0x1f: {  	[sflag:s14] =	ssyncset.done $0x0  }
0x20: {  	[sflag:s14] =	ssyncadd.s32 $0xFFFF9C00  }
0x21: {  	[bflag:$0x0] =	sbarrier.arrive $0xFFFF  }
0x22: {  	[tilespmem:s16], [sflag:$0x1] =	stream.indirect.gather [spmem:s3], $0x80, s13, s15, $0xb8;
	[tilespmem:$0x1C340] =	vst v63  }
0x23: {  	s8 =	simm.s32 $0x1FC0  }
0x24: {  	[tilespmem:s18], [sflag:$0x2] =	stream.indirect.gather [spmem:s3], $0x80, s8, s15, $0xb8;
	[tilespmem:$0x1C340] =	vst v63  }
0x25: {  	s9 =	simm.s32 $0x2040  }
0x26: {  	[tilespmem:s20], [sflag:$0x3] =	stream.indirect.gather [spmem:s3], $0x80, s9, s15, $0xb8;
	[tilespmem:$0x1C340] =	vst v63  }
0x27: {  	_ =	swait.ge [sflag:s21], $0x4000  }
0x28: {  	[sflag:s21] =	ssyncset.done $0x0  }
0x29: {  	[sflag:s21] =	ssyncadd.s32 $0xFFFFC000  }
0x2a: {  	[hbm4b:s6+s4] =	stream.linear.scatter [tilespmem:s16], [sflag:$0x6], $0x4000, $0x38;
	[tilespmem:$0x1C340] =	vst v63  }
0x2b: {  	s10 =	simm.s32 $0x20C0  }
0x2c: {  	[tilespmem:s23], [sflag:$0x4] =	stream.indirect.gather [spmem:s3], $0x80, s10, s15, $0xb8;
	[tilespmem:$0x1C340] =	vst v63  }
0x2d: {  	_ =	swait.ge [sflag:s24], $0x4000  }
0x2e: {  	[sflag:s24] =	ssyncset.done $0x0  }
0x2f: {  	s22 =	rddreg [dreg:$0x9];
	[sflag:s24] =	ssyncadd.s32 $0xFFFFC000  }
0x30: {  	[hbm4b:s22+s4] =	stream.linear.scatter [tilespmem:s18], [sflag:$0x7], $0x4000, $0x38;
	[tilespmem:$0x1C340] =	vst v63  }
0x31: {  	s7 =	simm.s32 $0x2140  }
0x32: {  	[tilespmem:s26], [sflag:$0x5] =	stream.indirect.gather [spmem:s3], $0x80, s7, s15, $0xb8;
	[tilespmem:$0x1C340] =	vst v63  }
0x33: {  	_ =	swait.ge [sflag:s28], $0x4000  }
0x34: {  	[sflag:s28] =	ssyncset.done $0x0  }
0x35: {  	s8 =	rddreg [dreg:$0xa];
	[sflag:s28] =	ssyncadd.s32 $0xFFFFC000  }
0x36: {  	[hbm4b:s8+s4] =	stream.linear.scatter [tilespmem:s20], [sflag:$0x8], $0x4000, $0x38;
	[tilespmem:$0x1C340] =	vst v63  }
0x37: {  	_ =	swait.ge [sflag:s29], $0x4000  }
0x38: {  	[sflag:s29] =	ssyncset.done $0x0  }
0x39: {  	s9 =	simm.s32 $0x21C0;
	[sflag:s29] =	ssyncadd.s32 $0xFFFFC000  }
0x3a: {  	[tilespmem:s16], [sflag:$0x1] =	stream.indirect.gather [spmem:s3], $0x80, s9, s15, $0xb8;
	[tilespmem:$0x1C340] =	vst v63  }
0x3b: {  	_ =	swait.ge [sflag:s31], $0x4000  }
0x3c: {  	[sflag:s31] =	ssyncset.done $0x0  }
0x3d: {  	s10 =	rddreg [dreg:$0xb];
	[sflag:s31] =	ssyncadd.s32 $0xFFFFC000  }
0x3e: {  	[hbm4b:s10+s4] =	stream.linear.scatter [tilespmem:s23], [sflag:$0x9], $0x4000, $0x38;
	[tilespmem:$0x1C340] =	vst v63  }
0x3f: {  	_ =	swait.ge [sflag:s1], $0x4000  }
0x40: {  	[sflag:s1] =	ssyncset.done $0x0  }
0x41: {  	s22 =	simm.s32 $0x2240;
	[sflag:s1] =	ssyncadd.s32 $0xFFFFC000  }
0x42: {  	[tilespmem:s18], [sflag:$0x2] =	stream.indirect.gather [spmem:s3], $0x80, s22, s15, $0xb8;
	[tilespmem:$0x1C340] =	vst v63  }
0x43: {  	_ =	swait.ge [sflag:s17], $0x4000  }
0x44: {  	[sflag:s17] =	ssyncset.done $0x0  }
0x45: {  	s7 =	rddreg [dreg:$0xc];
	[sflag:s17] =	ssyncadd.s32 $0xFFFFC000  }
0x46: {  	[hbm4b:s7+s4] =	stream.linear.scatter [tilespmem:s26], [sflag:$0xA], $0x4000, $0x38;
	[tilespmem:$0x1C340] =	vst v63  }
0x47: {  	_ =	swait.ge [sflag:s19], $0x4000  }
0x48: {  	[sflag:s19] =	ssyncset.done $0x0  }
0x49: {  	s8 =	simm.s32 $0x22C0;
	[sflag:s19] =	ssyncadd.s32 $0xFFFFC000  }
0x4a: {  	[tilespmem:s20], [sflag:$0x3] =	stream.indirect.gather [spmem:s3], $0x80, s8, s15, $0xb8;
	[tilespmem:$0x1C340] =	vst v63  }
0x4b: {  	_ =	swait.ge [sflag:s21], $0x4000  }
0x4c: {  	s9 =	rddreg [dreg:$0x5]  }
0x4d: {  	[sflag:s21] =	ssyncset.done $0x0;
	s5 =	sadd.s32 s2, s9  }
0x4e: {  	[sflag:s21] =	ssyncadd.s32 $0xFFFFC000;
	s10 =	sadd.s32 $0x2800, s5  }
0x4f: {  	[hbm4b:s10+s4] =	stream.linear.scatter [tilespmem:s16], [sflag:$0x6], $0x4000, $0x38;
	[tilespmem:$0x1C340] =	vst v63  }
0x50: {  	_ =	swait.ge [sflag:s25], $0x4000  }
0x51: {  	[sflag:s25] =	ssyncset.done $0x0  }
0x52: {  	s22 =	simm.s32 $0x2340;
	[sflag:s25] =	ssyncadd.s32 $0xFFFFC000  }
0x53: {  	[tilespmem:s23], [sflag:$0x4] =	stream.indirect.gather [spmem:s3], $0x80, s22, s15, $0xb8;
	[tilespmem:$0x1C340] =	vst v63  }
0x54: {  	_ =	swait.ge [sflag:s24], $0x4000  }
0x55: {  	[sflag:s24] =	ssyncset.done $0x0  }
0x56: {  	s8 =	sadd.s32 $0x3000, s5;
	[sflag:s24] =	ssyncadd.s32 $0xFFFFC000  }
0x57: {  	[hbm4b:s8+s4] =	stream.linear.scatter [tilespmem:s18], [sflag:$0x7], $0x4000, $0x38;
	[tilespmem:$0x1C340] =	vst v63  }
0x58: {  	_ =	swait.ge [sflag:s30], $0x4000  }
0x59: {  	[sflag:s30] =	ssyncset.done $0x0  }
0x5a: {  	s9 =	simm.s32 $0x23C0;
	[sflag:s30] =	ssyncadd.s32 $0xFFFFC000  }
0x5b: {  	[tilespmem:s26], [sflag:$0x5] =	stream.indirect.gather [spmem:s3], $0x80, s9, s15, $0xb8;
	[tilespmem:$0x1C340] =	vst v63  }
0x5c: {  	_ =	swait.ge [sflag:s28], $0x4000  }
0x5d: {  	p1 =	por $0x0, $0x0;
	[sflag:s28] =	ssyncset.done $0x0  }
0x5e: {  	s7 =	simm.s32 $0x1400;
	s5 =	sadd.s32 $0x3800, s5;
	[sflag:s28] =	ssyncadd.s32 $0xFFFFC000  }
0x5f: {  	[hbm4b:s5+s4] =	stream.linear.scatter [tilespmem:s20], [sflag:$0x8], $0x4000, $0x38;
	[tilespmem:$0x1C340] =	vst v63  }
0x60: {  	s7 =	simm.s32 @p1 $0x0;
	_ =	swait.ge [sflag:s29], $0x4000  }
0x61: {  	s10 =	sshra.s32 s7, $0x2;
	[sflag:s29] =	ssyncset.done $0x0  }
0x62: {  	s5 =	sadd.s32 $0x1F40, s10;
	[sflag:s29] =	ssyncadd.s32 $0xFFFFC000  }
0x63: {  	[tilespmem:s16], [sflag:$0x1] =	stream.indirect.gather [spmem:s3], $0x80, s5, s15, $0xb8;
	[tilespmem:$0x1C340] =	vst v63  }
0x64: {  	_ =	swait.ge [sflag:s31], $0x4000  }
0x65: {  	s22 =	rddreg [dreg:$0x7];
	[sflag:s31] =	ssyncset.done $0x0  }
0x66: {  	s7 =	simm.s32 $0x1600;
	[sflag:s31] =	ssyncadd.s32 $0xFFFFC000;
	s5 =	sadd.s32 s2, s22  }
0x67: {  	[hbm4b:s5+s4] =	stream.linear.scatter [tilespmem:s23], [sflag:$0x9], $0x4000, $0x38;
	[tilespmem:$0x1C340] =	vst v63  }
0x68: {  	s7 =	simm.s32 @p1 $0x200;
	_ =	swait.ge [sflag:s1], $0x4000  }
0x69: {  	s8 =	sshra.s32 s7, $0x2;
	[sflag:s1] =	ssyncset.done $0x0  }
0x6a: {  	s5 =	sadd.s32 $0x1F40, s8;
	[sflag:s1] =	ssyncadd.s32 $0xFFFFC000  }
0x6b: {  	[tilespmem:s18], [sflag:$0x2] =	stream.indirect.gather [spmem:s3], $0x80, s5, s15, $0xb8;
	[tilespmem:$0x1C340] =	vst v63  }
0x6c: {  	_ =	swait.ge [sflag:s17], $0x4000  }
0x6d: {  	s7 =	simm.s32 $0x1800;
	s9 =	rddreg [dreg:$0x6];
	[sflag:s17] =	ssyncset.done $0x0  }
0x6e: {  	s7 =	simm.s32 @p1 $0x400;
	[sflag:s17] =	ssyncadd.s32 $0xFFFFC000;
	s5 =	sadd.s32 s2, s9  }
0x6f: {  	[hbm4b:s5+s4] =	stream.linear.scatter [tilespmem:s26], [sflag:$0xA], $0x4000, $0x38;
	[tilespmem:$0x1C340] =	vst v63  }
0x70: {  	s10 =	sshra.s32 s7, $0x2;
	_ =	swait.ge [sflag:s19], $0x4000  }
0x71: {  	s7 =	sadd.s32 $0x1F40, s10;
	[sflag:s19] =	ssyncset.done $0x0  }
0x72: {  	s22 =	simm.s32 $0x2200;
	s5 =	sadd.s32 $0x2800, s2;
	[sflag:s19] =	ssyncadd.s32 $0xFFFFC000  }
.LBB2_2:
0x73: {  	[tilespmem:s20], [sflag:$0x3] =	stream.indirect.gather [spmem:s3], $0x80, s7, s15, $0xb8;
	[tilespmem:$0x1C340] =	vst v63  }
0x74: {  	_ =	swait.ge [sflag:s21], $0x4000  }
0x75: {  	s8 =	rddreg [dreg:$0x5]  }
0x76: {  	[sflag:s21] =	ssyncset.done $0x0;
	s8 =	sadd.s32 s5, s8  }
0x77: {  	[sflag:s21] =	ssyncadd.s32 $0xFFFFC000;
	s9 =	sadd.s32 $0x2800, s8  }
0x78: {  	[hbm4b:s9+s4] =	stream.linear.scatter [tilespmem:s16], [sflag:$0x6], $0x4000, $0x38;
	[tilespmem:$0x1C340] =	vst v63  }
0x79: {  	s7 =	smov.u32 s22;
	_ =	swait.ge [sflag:s25], $0x4000  }
0x7a: {  	s9 =	sshra.s32 s7, $0x2;
	[sflag:s25] =	ssyncset.done $0x0  }
0x7b: {  	s10 =	sadd.s32 $0x1D40, s9;
	[sflag:s25] =	ssyncadd.s32 $0xFFFFC000  }
0x7c: {  	[tilespmem:s23], [sflag:$0x4] =	stream.indirect.gather [spmem:s3], $0x80, s10, s15, $0xb8;
	[tilespmem:$0x1C340] =	vst v63  }
0x7d: {  	_ =	swait.ge [sflag:s24], $0x4000  }
0x7e: {  	[sflag:s24] =	ssyncset.done $0x0  }
0x7f: {  	s10 =	sadd.s32 $0x3000, s8;
	[sflag:s24] =	ssyncadd.s32 $0xFFFFC000  }
0x80: {  	[hbm4b:s10+s4] =	stream.linear.scatter [tilespmem:s18], [sflag:$0x7], $0x4000, $0x38;
	[tilespmem:$0x1C340] =	vst v63  }
0x81: {  	_ =	swait.ge [sflag:s30], $0x4000  }
0x82: {  	[sflag:s30] =	ssyncset.done $0x0  }
0x83: {  	s9 =	sadd.s32 $0x1DC0, s9;
	[sflag:s30] =	ssyncadd.s32 $0xFFFFC000  }
0x84: {  	[tilespmem:s26], [sflag:$0x5] =	stream.indirect.gather [spmem:s3], $0x80, s9, s15, $0xb8;
	[tilespmem:$0x1C340] =	vst v63  }
0x85: {  	_ =	swait.ge [sflag:s28], $0x4000  }
0x86: {  	p2 =	seq.s32 s7, $0x19400;
	[sflag:s28] =	ssyncset.done $0x0  }
0x87: {  	s8 =	sadd.s32 $0x3800, s8;
	s9 =	sadd.s32 $0xFFFFFC00, s7;
	[sflag:s28] =	ssyncadd.s32 $0xFFFFC000  }
0x88: {  	[hbm4b:s8+s4] =	stream.linear.scatter [tilespmem:s20], [sflag:$0x8], $0x4000, $0x38;
	[tilespmem:$0x1C340] =	vst v63  }
0x89: {  	s9 =	simm.s32 @p2 $0x0;
	_ =	swait.ge [sflag:s29], $0x4000  }
0x8a: {  	s8 =	sshra.s32 s9, $0x2;
	[sflag:s29] =	ssyncset.done $0x0  }
0x8b: {  	s10 =	sadd.s32 $0xFFFFFE00, s7;
	s8 =	sadd.s32 $0x1F40, s8;
	[sflag:s29] =	ssyncadd.s32 $0xFFFFC000  }
0x8c: {  	[tilespmem:s16], [sflag:$0x1] =	stream.indirect.gather [spmem:s3], $0x80, s8, s15, $0xb8;
	[tilespmem:$0x1C340] =	vst v63  }
0x8d: {  	s10 =	simm.s32 @p2 $0x200;
	_ =	swait.ge [sflag:s31], $0x4000  }
0x8e: {  	s9 =	sshra.s32 s10, $0x2;
	s10 =	rddreg [dreg:$0x7];
	[sflag:s31] =	ssyncset.done $0x0  }
0x8f: {  	[sflag:s31] =	ssyncadd.s32 $0xFFFFC000;
	s8 =	sadd.s32 s5, s10  }
0x90: {  	[hbm4b:s8+s4] =	stream.linear.scatter [tilespmem:s23], [sflag:$0x9], $0x4000, $0x38;
	[tilespmem:$0x1C340] =	vst v63  }
0x91: {  	_ =	swait.ge [sflag:s1], $0x4000  }
0x92: {  	[sflag:s1] =	ssyncset.done $0x0  }
0x93: {  	s9 =	sadd.s32 $0x1F40, s9;
	[sflag:s1] =	ssyncadd.s32 $0xFFFFC000  }
0x94: {  	[tilespmem:s18], [sflag:$0x2] =	stream.indirect.gather [spmem:s3], $0x80, s9, s15, $0xb8;
	[tilespmem:$0x1C340] =	vst v63  }
0x95: {  	_ =	swait.ge [sflag:s17], $0x4000  }
0x96: {  	p1 =	sne.s32 s22, $0x19400;
	s10 =	rddreg [dreg:$0x6];
	[sflag:s17] =	ssyncset.done $0x0  }
.Ltmp0:
0x97: {  	[sflag:s17] =	ssyncadd.s32 $0xFFFFC000;
	s8 =	sadd.s32 s5, s10;
	(pc) =	sbr.rel @p1 .LBB2_2-.Ltmp0, $4  }
0x98: {  	[hbm4b:s8+s4] =	stream.linear.scatter [tilespmem:s26], [sflag:$0xA], $0x4000, $0x38;
	[tilespmem:$0x1C340] =	vst v63  }
0x99: {  	s7 =	simm.s32 @p2 $0x400;
	_ =	swait.ge [sflag:s19], $0x4000  }
0x9a: {  	s22 =	sadd.s32 $0xA00, s22;
	s7 =	sshra.s32 s7, $0x2;
	[sflag:s19] =	ssyncset.done $0x0  }
0x9b: {  	s7 =	sadd.s32 $0x1F40, s7;
	s5 =	sadd.s32 $0x2800, s5;
	[sflag:s19] =	ssyncadd.s32 $0xFFFFC000  }
0x9c: {  	[tilespmem:s20], [sflag:$0x3] =	stream.indirect.gather [spmem:s3], $0x80, s7, s15, $0xb8;
	[tilespmem:$0x1C340] =	vst v63  }
0x9d: {  	_ =	swait.ge [sflag:s21], $0x4000  }
0x9e: {  	[sflag:s21] =	ssyncset.done $0x0  }
0x9f: {  	[sflag:s21] =	ssyncadd.s32 $0xFFFFC000  }
0xa0: {  	_ =	swait.ge [sflag:s24], $0x4000  }
0xa1: {  	[sflag:s24] =	ssyncset.done $0x0  }
0xa2: {  	[sflag:s24] =	ssyncadd.s32 $0xFFFFC000  }
0xa3: {  	_ =	swait.ge [sflag:s28], $0x4000  }
0xa4: {  	[sflag:s28] =	ssyncset.done $0x0  }
0xa5: {  	s0 =	sadd.s32 $0x1, s0;
	[sflag:s28] =	ssyncadd.s32 $0xFFFFC000  }
0xa6: {  	p1 =	sne.s32 s0, s11;
	_ =	swait.ge [sflag:s25], $0x4000  }
.Ltmp1:
0xa7: {  	[sflag:s25] =	ssyncset.done $0x0;
	(pc) =	sbr.rel @p1 .LBB2_1-.Ltmp1, $4  }
0xa8: {  	[sflag:s25] =	ssyncadd.s32 $0xFFFFC000  }
0xa9: {  	_ =	swait.ge [sflag:s30], $0x4000  }
0xaa: {  	[sflag:s30] =	ssyncset.done $0x0  }
0xab: {  	[sflag:s30] =	ssyncadd.s32 $0xFFFFC000  }
0xac: {  	_ =	sfence.sel $0x180000  }
0xad: {  	[bflag:$0x0] =	sbarrier.arrive $0xFFFF  }
0xae: {  	_ =	strace $0x90000047  }
0xaf: {  	[bflag:$0x2] =	sbarrier.arrive $0xFFFF  }
0xb0: {  	s0 =	rddreg [dreg:$0x4]  }
0xb1: {  	s0 =	sadd.s32 @!p0 $0x100000, s0  }
0xb2: {  	[sflag:s0] =	ssyncadd.tile.s32 @!p0 $0x1;
	_ =	shalt  }
.Lfunc_end2:
_tile_overlayer_lowered:
.L_overlay_start_2:
0xb3: {  	(tag) =	ssettag $0x2  }
0xb4: {  	s0 =	rddreg [dreg:$0x0];
	s2 =	stileid.u32  }
0xb5: {  	s1 =	rddreg [dreg:$0x1];
	p0 =	sne.s32 s2, $0x0  }
0xb6: {  	s3 =	rddreg [dreg:$0x2];
	[bflag:$0x3] =	sbarrier.arrive $0xFFFF;
	s2 =	simm.s32 @!p0 $0x1C0B  }
0xb7: {  	[timem:s3], [sflag:s2] =	dma.local @!p0 [hbm:s0], s1  }
0xb8: {  	s0 =	simm.s32 @!p0 $0xB  }
0xb9: {  	_ =	swait.ge @!p0 [sflag:s0], s1  }
0xba: {  	s1 =	ssub.s32 @!p0 $0x0, s1;
	[sflag:s0] =	ssyncset.done @!p0 $0x0  }
0xbb: {  	[sflag:s0] =	ssyncadd.s32 @!p0 s1  }
0xbc: {  	[bflag:$0x3] =	sbarrier.arrive $0xFFFF  }
0xbd: {  	_ =	shalt  }

</sc_bundles>
